<compile_context>
chip_gen: v7x
topology: tpu7x:2x2x1
jax: 0.10.2.dev20260603
libtpu: 0.0.44.dev20260713+nightly
codegen_flags: <defaults>
</compile_context>

<pallas_src>
import jax
import jax.numpy as jnp
from jax import lax
from jax.experimental import pallas as pl
from jax.experimental.pallas import tpu as pltpu
from jax.experimental.pallas import tpu_sc as plsc

N = 10000
E = 320000
DN = 128
DE = 128
H = 256
EPS = 1e-5

C = 128
R = E // C
NW = 32
N_PAD = 10112
ROWS_PER_TILE = N_PAD // 16


NBUF = 3
NCH = 81


def _sc_scatter_body(ea_hbm, idx_hbm, out_hbm, agg_sh, idx_v, rows_v, *sems):
    c = lax.axis_index("c")
    s = lax.axis_index("s")
    wid = s * 2 + c

    def zbody(t, _):
        i = t // 8
        j = t % 8
        rows_v[0, i, pl.ds(j * 16, 16)] = jnp.zeros((16,), jnp.float32)
        return 0
    lax.fori_loop(0, C * 8, zbody, 0)

    base = s * ROWS_PER_TILE
    off = 0
    for nz in (C, C, C, C, ROWS_PER_TILE - 4 * C):
        pltpu.sync_copy(rows_v.at[0, pl.ds(0, nz)],
                        agg_sh.at[pl.ds(base + off, nz)])
        off += nz

    lsem = sems

    def start_load(jj, b):
        r = jj * NW + wid

        @pl.when(r < R)
        def _():
            pltpu.async_copy(ea_hbm.at[pl.ds(r * C, C)], rows_v.at[b],
                             lsem[b])
            pltpu.async_copy(idx_hbm.at[pl.ds(r * C, C)], idx_v.at[b],
                             lsem[b])

    def wait_load(jj, b):
        r = jj * NW + wid

        @pl.when(r < R)
        def _():
            pltpu.make_async_copy(ea_hbm.at[pl.ds(r * C, C)], rows_v.at[b],
                                  lsem[b]).wait()
            pltpu.make_async_copy(idx_hbm.at[pl.ds(r * C, C)], idx_v.at[b],
                                  lsem[b]).wait()

    for b in range(NBUF):
        start_load(b, b)
    plsc.subcore_barrier()

    def body(g, _):
        for b in range(NBUF):
            jj = g * NBUF + b
            r = jj * NW + wid
            wait_load(jj, b)

            @pl.when(r < R)
            def _():
                pltpu.sync_copy(rows_v.at[b], agg_sh.at[idx_v.at[b]],
                                add=True)
            start_load(jj + NBUF, b)
        return 0
    lax.fori_loop(0, NCH // NBUF, body, 0)
    plsc.subcore_barrier()

    pltpu.sync_copy(agg_sh.at[pl.ds(base, ROWS_PER_TILE)],
                    out_hbm.at[c, pl.ds(base, ROWS_PER_TILE)])


def _sc_scatter(ea, idx1d):
    mesh = plsc.VectorSubcoreMesh(core_axis_name="c", subcore_axis_name="s")
    return pl.kernel(
        _sc_scatter_body,
        out_type=jax.ShapeDtypeStruct((2, N_PAD, DE), jnp.float32),
        mesh=mesh,
        scratch_types=[
            pltpu.VMEM_SHARED((N_PAD, DE), jnp.float32),
            pltpu.VMEM((NBUF, C), jnp.int32),
            pltpu.VMEM((NBUF, C, DE), jnp.float32),
        ] + [pltpu.SemaphoreType.DMA] * NBUF,
    )(ea, idx1d)


BLK = 1000


def _mlp_body(x_ref, p_ref, w1_ref, b1_ref, w2_ref, b2_ref, w3_ref, b3_ref,
              g_ref, be_ref, o_ref):
    xb = x_ref[...]
    agg = p_ref[0] + p_ref[1]
    h = jnp.concatenate([xb, agg], axis=-1)
    h = jnp.maximum(h @ w1_ref[...] + b1_ref[...], 0.0)
    h = jnp.maximum(h @ w2_ref[...] + b2_ref[...], 0.0)
    h = h @ w3_ref[...] + b3_ref[...]
    mu = jnp.mean(h, axis=-1, keepdims=True)
    var = jnp.mean((h - mu) ** 2, axis=-1, keepdims=True)
    h = (h - mu) * lax.rsqrt(var + EPS) * g_ref[...] + be_ref[...]
    o_ref[...] = h + xb


def _tc_mlp(x, partials, W1, b1, W2, b2, W3, b3, gamma, beta):
    grid = (N // BLK,)
    full = lambda shape: pl.BlockSpec(shape, lambda i: (0,) * len(shape))
    return pl.pallas_call(
        _mlp_body,
        grid=grid,
        in_specs=[
            pl.BlockSpec((BLK, DN), lambda i: (i, 0)),
            pl.BlockSpec((2, BLK, DE), lambda i: (0, i, 0)),
            full((DN + DE, H)),
            full((1, H)),
            full((H, H)),
            full((1, H)),
            full((H, DN)),
            full((1, DN)),
            full((1, DN)),
            full((1, DN)),
        ],
        out_specs=pl.BlockSpec((BLK, DN), lambda i: (i, 0)),
        out_shape=jax.ShapeDtypeStruct((N, DN), jnp.float32),
    )(x, partials, W1, b1.reshape(1, H), W2, b2.reshape(1, H),
      W3, b3.reshape(1, DN), gamma.reshape(1, DN), beta.reshape(1, DN))


def kernel(x, edge_indices, edge_attrs, W1, b1, W2, b2, W3, b3, gamma, beta):
    ea = edge_attrs.reshape(E, DE)
    dst = edge_indices[0, 1]
    partials = _sc_scatter(ea, dst)
    return _tc_mlp(x, partials, W1, b1, W2, b2, W3, b3, gamma, beta)

# --- scband reference (transcript-rebuilt; emitter-appended) ---
"""Pipeline reference for scband-node-processor-69655779607242 (READ-ONLY COPY).

The authoritative reference and input builder live on the scoring server;
editing this copy changes nothing except your own understanding.
"""

import jax, jax.numpy as jnp
import numpy as np

N = 10000
E = 320000
DN = 128
DE = 128
H = 256
EPS = 1e-5


def setup_inputs(seed: int = 0) -> dict:
    key = jax.random.key(seed)
    ks = jax.random.split(key, 12)
    x = jax.random.normal(ks[0], (N, DN), dtype=jnp.float32)
    edge_indices = jax.random.randint(ks[1], (1, 2, E), 0, N, dtype=jnp.int32)
    edge_attrs = jax.random.normal(ks[2], (1, E, DE), dtype=jnp.float32)
    d_in = DN + DE
    W1 = jax.random.normal(ks[3], (d_in, H), dtype=jnp.float32) / np.sqrt(d_in)
    b1 = jnp.zeros((H,), dtype=jnp.float32)
    W2 = jax.random.normal(ks[4], (H, H), dtype=jnp.float32) / np.sqrt(H)
    b2 = jnp.zeros((H,), dtype=jnp.float32)
    W3 = jax.random.normal(ks[5], (H, DN), dtype=jnp.float32) / np.sqrt(H)
    b3 = jnp.zeros((DN,), dtype=jnp.float32)
    gamma = jnp.ones((DN,), dtype=jnp.float32)
    beta = jnp.zeros((DN,), dtype=jnp.float32)
    return {"x": x, "edge_indices": edge_indices, "edge_attrs": edge_attrs,
            "W1": W1, "b1": b1, "W2": W2, "b2": b2, "W3": W3, "b3": b3,
            "gamma": gamma, "beta": beta}


def _mlp(h, W1, b1, W2, b2, W3, b3, gamma, beta):
    h = jax.nn.relu(h @ W1 + b1)
    h = jax.nn.relu(h @ W2 + b2)
    h = h @ W3 + b3
    mu = jnp.mean(h, axis=-1, keepdims=True)
    var = jnp.var(h, axis=-1, keepdims=True)
    return (h - mu) / jnp.sqrt(var + EPS) * gamma + beta


def reference(x, edge_indices, edge_attrs, W1, b1, W2, b2, W3, b3, gamma, beta):
    out = [x]
    for i in range(edge_indices.shape[0]):
        ei = edge_indices[i]
        ea = edge_attrs[i]
        # scatter_sum(ea, ei[1], dim=0) -> aggregate edge features at destination nodes
        out.append(jax.ops.segment_sum(ea, ei[1], num_segments=N))
    h = jnp.concatenate(out, axis=-1)
    h = _mlp(h, W1, b1, W2, b2, W3, b3, gamma, beta)
    return h + x


if False:  # reference __main__ guard neutralized (emitter)
    inp = setup_inputs()
    y = reference(**inp)
    print(y.shape, y.dtype)

if __name__ == "__main__":
    import jax
    _d = setup_inputs()
    print(jax.jit(kernel)(*tuple(_d.values())))

</pallas_src>

<mosaic_0001>
#map = affine_map<(d0, d1) -> (0, 0)>
#map1 = affine_map<(d0, d1) -> (0)>
#map2 = affine_map<(d0, d1) -> (0, 0, 0)>
module attributes {stable_mosaic.version = 14 : i64} {
  func.func @_sc_scatter_body(%arg0: i32, %arg1: i32, %arg2: memref<320000x128xf32, #tpu.memory_space<hbm>>, %arg3: memref<320000xi32, #tpu.memory_space<hbm>>, %arg4: memref<2x10112x128xf32, #tpu.memory_space<hbm>>, %arg5: memref<10112x128xf32, #tpu.memory_space<vmem_shared>>, %arg6: memref<3x128xi32, #tpu.memory_space<vmem>>, %arg7: memref<3x128x128xf32, #tpu.memory_space<vmem>>, %arg8: memref<!tpu.dma_semaphore, #tpu.memory_space<semaphore_mem>>, %arg9: memref<!tpu.dma_semaphore, #tpu.memory_space<semaphore_mem>>, %arg10: memref<!tpu.dma_semaphore, #tpu.memory_space<semaphore_mem>>) attributes {dimension_semantics = [#tpu.dimension_semantics<core_parallel>, #tpu.dimension_semantics<subcore_parallel>], iteration_bounds = array<i64: 2, 16>, scalar_prefetch = 0 : i64, scratch_operands = 6 : i64, tpu.core_type = #tpu.core_type<sc_vector_subcore>, window_params = [{transform_indices = #map}, {transform_indices = #map1}, {transform_indices = #map2}]} {
    %mul3A = arith.constant 2 : i32
    %mul3A_0 = arith.muli %arg1, %mul3A : i32
    %add3A = arith.addi %mul3A_0, %arg0 : i32
    %scan3A = arith.constant 0 : i32
    %scan3A_1 = arith.constant 0 : i32
    %scan3A_2 = arith.constant 1024 : i32
    %scan3A_3 = arith.addi %scan3A_1, %scan3A_2 : i32
    %scan3A_4 = arith.constant 1 : i32
    %scan3A_5 = scf.for %scan3A_49 = %scan3A_1 to %scan3A_3 step %scan3A_4 iter_args(%scan3A_50 = %scan3A) -> (i32)  : i32 {
      %jit3A = arith.constant 8 : i32
      %div3A = arith.divsi %scan3A_49, %jit3A : i32
      %sign3A = arith.constant 0 : i32
      %sign3A_51 = arith.cmpi sgt, %scan3A_49, %sign3A : i32
      %sign3A_52 = arith.extui %sign3A_51 : i1 to i32
      %sign3A_53 = arith.constant 0 : i32
      %sign3A_54 = arith.cmpi slt, %scan3A_49, %sign3A_53 : i32
      %sign3A_55 = arith.extui %sign3A_54 : i1 to i32
      %sign3A_56 = arith.subi %sign3A_52, %sign3A_55 : i32
      %sign3A_57 = arith.constant 0 : i32
      %sign3A_58 = arith.cmpi sgt, %jit3A, %sign3A_57 : i32
      %sign3A_59 = arith.extui %sign3A_58 : i1 to i32
      %sign3A_60 = arith.constant 0 : i32
      %sign3A_61 = arith.cmpi slt, %jit3A, %sign3A_60 : i32
      %sign3A_62 = arith.extui %sign3A_61 : i1 to i32
      %sign3A_63 = arith.subi %sign3A_59, %sign3A_62 : i32
      %ne3A = arith.cmpi ne, %sign3A_56, %sign3A_63 : i32
      %rem3A = arith.remsi %scan3A_49, %jit3A : i32
      %ne3A_64 = arith.constant 0 : i32
      %ne3A_65 = arith.cmpi ne, %rem3A, %ne3A_64 : i32
      %and3A = arith.andi %ne3A, %ne3A_65 : i1
      %sub3A = arith.constant 1 : i32
      %sub3A_66 = arith.subi %div3A, %sub3A : i32
      %select_n3A = arith.select %and3A, %sub3A_66, %div3A : i32
      %jit3A_67 = arith.constant 8 : i32
      %eq3A = arith.constant 0 : i32
      %eq3A_68 = arith.cmpi eq, %jit3A_67, %eq3A : i32
      %jit3A_69 = arith.constant 1 : i32
      %select_n3A_70 = arith.select %eq3A_68, %jit3A_69, %jit3A_67 : i32
      %rem3A_71 = arith.remsi %scan3A_49, %select_n3A_70 : i32
      %ne3A_72 = arith.constant 0 : i32
      %ne3A_73 = arith.cmpi ne, %rem3A_71, %ne3A_72 : i32
      %lt3A_74 = arith.constant 0 : i32
      %lt3A_75 = arith.cmpi slt, %rem3A_71, %lt3A_74 : i32
      %lt3A_76 = arith.constant 0 : i32
      %lt3A_77 = arith.cmpi slt, %select_n3A_70, %lt3A_76 : i32
      %ne3A_78 = arith.xori %lt3A_75, %lt3A_77 : i1
      %and3A_79 = arith.andi %ne3A_78, %ne3A_73 : i1
      %add3A_80 = arith.addi %rem3A_71, %select_n3A_70 : i32
      %select_n3A_81 = arith.select %and3A_79, %add3A_80, %rem3A_71 : i32
      %broadcast_in_dim3A = arith.constant 0.000000e+00 : f32
      %broadcast_in_dim3A_82 = vector.broadcast %broadcast_in_dim3A : f32 to vector<16xf32>
      %mul3A_83 = arith.constant 16 : i32
      %mul3A_84 = arith.muli %select_n3A_81, %mul3A_83 : i32
      %swap3A = arith.constant 0 : i32
      %swap3A_85 = arith.index_cast %swap3A : i32 to index
      %swap3A_86 = arith.index_cast %select_n3A : i32 to index
      %swap3A_87 = arith.index_cast %mul3A_84 : i32 to index
      %swap3A_88 = tpu.vector_load %arg7[%swap3A_85, %swap3A_86, %swap3A_87] {strides = array<i32>} : memref<3x128x128xf32, #tpu.memory_space<vmem>>, vector<1x1x16xf32>,
      %swap3A_89 = vector.shape_cast %swap3A_88 : vector<1x1x16xf32> to vector<16xf32>
      %swap3A_90 = vector.shape_cast %broadcast_in_dim3A_82 : vector<16xf32> to vector<1x1x16xf32>
      tpu.vector_store %arg7[%swap3A_85, %swap3A_86, %swap3A_87], %swap3A_90 {strides = array<i32>} : memref<3x128x128xf32, #tpu.memory_space<vmem>>, vector<1x1x16xf32>,
      %scan3A_91 = arith.constant 0 : i32
      scf.yield %scan3A_91 : i32
    }
    %scan3A_6 = arith.constant 1024 : i32
    %mul3A_7 = arith.constant 632 : i32
    %mul3A_8 = arith.muli %arg1, %mul3A_7 : i32
    %add3A_9 = arith.constant 0 : i32
    %add3A_10 = arith.addi %mul3A_8, %add3A_9 : i32
    %run_scoped3A = arith.constant 0 : i32
    "tpu.region"() ({
      %run_scoped3A_49 = tpu.sem_alloc : memref<!tpu.dma_semaphore, #tpu.memory_space<semaphore_mem>>
      %dma_start3A = arith.constant 0 : i32
      %dma_start3A_50 = arith.constant 0 : i32
      %dma_start3A_51 = tpu.memref_slice %arg7[%run_scoped3A, %dma_start3A, %dma_start3A_50] : memref<3x128x128xf32, #tpu.memory_space<vmem>> -> memref<1x128x128xf32, #tpu.memory_space<vmem>>
      %dma_start3A_52 = tpu.memref_squeeze %dma_start3A_51 : memref<1x128x128xf32, #tpu.memory_space<vmem>> -> memref<128x128xf32, #tpu.memory_space<vmem>>
      %dma_start3A_53 = arith.constant 0 : i32
      %dma_start3A_54 = tpu.memref_slice %arg5[%add3A_10, %dma_start3A_53] : memref<10112x128xf32, #tpu.memory_space<vmem_shared>> -> memref<128x128xf32, #tpu.memory_space<vmem_shared>>
      %dma_start3A_55 = arith.constant 0 : i32
      %dma_start3A_56 = tpu.memref_slice %arg5[%add3A_10, %dma_start3A_55] : memref<10112x128xf32, #tpu.memory_space<vmem_shared>> -> memref<128x128xf32, #tpu.memory_space<vmem_shared>>
      %dma_start3A_57 = arith.constant 0 : i32
      %dma_start3A_58 = arith.constant 0 : i32
      %dma_start3A_59 = tpu.memref_slice %arg7[%run_scoped3A, %dma_start3A_57, %dma_start3A_58] : memref<3x128x128xf32, #tpu.memory_space<vmem>> -> memref<1x128x128xf32, #tpu.memory_space<vmem>>
      %dma_start3A_60 = tpu.memref_squeeze %dma_start3A_59 : memref<1x128x128xf32, #tpu.memory_space<vmem>> -> memref<128x128xf32, #tpu.memory_space<vmem>>
      tpu.enqueue_dma source(%dma_start3A_60 : memref<128x128xf32, #tpu.memory_space<vmem>>) target(%dma_start3A_56 : memref<128x128xf32, #tpu.memory_space<vmem_shared>>) target_semaphore(%run_scoped3A_49 : memref<!tpu.dma_semaphore, #tpu.memory_space<semaphore_mem>>)
      %dma_wait3A = arith.constant 0 : i32
      %dma_wait3A_61 = arith.constant 0 : i32
      %dma_wait3A_62 = tpu.memref_slice %arg7[%run_scoped3A, %dma_wait3A, %dma_wait3A_61] : memref<3x128x128xf32, #tpu.memory_space<vmem>> -> memref<1x128x128xf32, #tpu.memory_space<vmem>>
      %dma_wait3A_63 = tpu.memref_squeeze %dma_wait3A_62 : memref<1x128x128xf32, #tpu.memory_space<vmem>> -> memref<128x128xf32, #tpu.memory_space<vmem>>
      %dma_wait3A_64 = arith.constant 0 : i32
      %dma_wait3A_65 = tpu.memref_slice %arg5[%add3A_10, %dma_wait3A_64] : memref<10112x128xf32, #tpu.memory_space<vmem_shared>> -> memref<128x128xf32, #tpu.memory_space<vmem_shared>>
      %dma_wait3A_66 = arith.constant 0 : i32
      %dma_wait3A_67 = tpu.memref_slice %arg5[%add3A_10, %dma_wait3A_66] : memref<10112x128xf32, #tpu.memory_space<vmem_shared>> -> memref<128x128xf32, #tpu.memory_space<vmem_shared>>
      %dma_wait3A_68 = arith.constant 0 : i32
      %dma_wait3A_69 = arith.constant 0 : i32
      %dma_wait3A_70 = tpu.memref_slice %arg7[%run_scoped3A, %dma_wait3A_68, %dma_wait3A_69] : memref<3x128x128xf32, #tpu.memory_space<vmem>> -> memref<1x128x128xf32, #tpu.memory_space<vmem>>
      %dma_wait3A_71 = tpu.memref_squeeze %dma_wait3A_70 : memref<1x128x128xf32, #tpu.memory_space<vmem>> -> memref<128x128xf32, #tpu.memory_space<vmem>>
      tpu.wait_dma2 semaphore(%run_scoped3A_49 : memref<!tpu.dma_semaphore, #tpu.memory_space<semaphore_mem>>) src(%dma_wait3A_71 : memref<128x128xf32, #tpu.memory_space<vmem>>) dst(%dma_wait3A_67 : memref<128x128xf32, #tpu.memory_space<vmem_shared>>)
      tpu.yield
    }) : () -> ()
    %add3A_11 = arith.constant 128 : i32
    %add3A_12 = arith.addi %mul3A_8, %add3A_11 : i32
    %run_scoped3A_13 = arith.constant 0 : i32
    "tpu.region"() ({
      %run_scoped3A_49 = tpu.sem_alloc : memref<!tpu.dma_semaphore, #tpu.memory_space<semaphore_mem>>
      %dma_start3A = arith.constant 0 : i32
      %dma_start3A_50 = arith.constant 0 : i32
      %dma_start3A_51 = tpu.memref_slice %arg7[%run_scoped3A_13, %dma_start3A, %dma_start3A_50] : memref<3x128x128xf32, #tpu.memory_space<vmem>> -> memref<1x128x128xf32, #tpu.memory_space<vmem>>
      %dma_start3A_52 = tpu.memref_squeeze %dma_start3A_51 : memref<1x128x128xf32, #tpu.memory_space<vmem>> -> memref<128x128xf32, #tpu.memory_space<vmem>>
      %dma_start3A_53 = arith.constant 0 : i32
      %dma_start3A_54 = tpu.memref_slice %arg5[%add3A_12, %dma_start3A_53] : memref<10112x128xf32, #tpu.memory_space<vmem_shared>> -> memref<128x128xf32, #tpu.memory_space<vmem_shared>>
      %dma_start3A_55 = arith.constant 0 : i32
      %dma_start3A_56 = tpu.memref_slice %arg5[%add3A_12, %dma_start3A_55] : memref<10112x128xf32, #tpu.memory_space<vmem_shared>> -> memref<128x128xf32, #tpu.memory_space<vmem_shared>>
      %dma_start3A_57 = arith.constant 0 : i32
      %dma_start3A_58 = arith.constant 0 : i32
      %dma_start3A_59 = tpu.memref_slice %arg7[%run_scoped3A_13, %dma_start3A_57, %dma_start3A_58] : memref<3x128x128xf32, #tpu.memory_space<vmem>> -> memref<1x128x128xf32, #tpu.memory_space<vmem>>
      %dma_start3A_60 = tpu.memref_squeeze %dma_start3A_59 : memref<1x128x128xf32, #tpu.memory_space<vmem>> -> memref<128x128xf32, #tpu.memory_space<vmem>>
      tpu.enqueue_dma source(%dma_start3A_60 : memref<128x128xf32, #tpu.memory_space<vmem>>) target(%dma_start3A_56 : memref<128x128xf32, #tpu.memory_space<vmem_shared>>) target_semaphore(%run_scoped3A_49 : memref<!tpu.dma_semaphore, #tpu.memory_space<semaphore_mem>>)
      %dma_wait3A = arith.constant 0 : i32
      %dma_wait3A_61 = arith.constant 0 : i32
      %dma_wait3A_62 = tpu.memref_slice %arg7[%run_scoped3A_13, %dma_wait3A, %dma_wait3A_61] : memref<3x128x128xf32, #tpu.memory_space<vmem>> -> memref<1x128x128xf32, #tpu.memory_space<vmem>>
      %dma_wait3A_63 = tpu.memref_squeeze %dma_wait3A_62 : memref<1x128x128xf32, #tpu.memory_space<vmem>> -> memref<128x128xf32, #tpu.memory_space<vmem>>
      %dma_wait3A_64 = arith.constant 0 : i32
      %dma_wait3A_65 = tpu.memref_slice %arg5[%add3A_12, %dma_wait3A_64] : memref<10112x128xf32, #tpu.memory_space<vmem_shared>> -> memref<128x128xf32, #tpu.memory_space<vmem_shared>>
      %dma_wait3A_66 = arith.constant 0 : i32
      %dma_wait3A_67 = tpu.memref_slice %arg5[%add3A_12, %dma_wait3A_66] : memref<10112x128xf32, #tpu.memory_space<vmem_shared>> -> memref<128x128xf32, #tpu.memory_space<vmem_shared>>
      %dma_wait3A_68 = arith.constant 0 : i32
      %dma_wait3A_69 = arith.constant 0 : i32
      %dma_wait3A_70 = tpu.memref_slice %arg7[%run_scoped3A_13, %dma_wait3A_68, %dma_wait3A_69] : memref<3x128x128xf32, #tpu.memory_space<vmem>> -> memref<1x128x128xf32, #tpu.memory_space<vmem>>
      %dma_wait3A_71 = tpu.memref_squeeze %dma_wait3A_70 : memref<1x128x128xf32, #tpu.memory_space<vmem>> -> memref<128x128xf32, #tpu.memory_space<vmem>>
      tpu.wait_dma2 semaphore(%run_scoped3A_49 : memref<!tpu.dma_semaphore, #tpu.memory_space<semaphore_mem>>) src(%dma_wait3A_71 : memref<128x128xf32, #tpu.memory_space<vmem>>) dst(%dma_wait3A_67 : memref<128x128xf32, #tpu.memory_space<vmem_shared>>)
      tpu.yield
    }) : () -> ()
    %add3A_14 = arith.constant 256 : i32
    %add3A_15 = arith.addi %mul3A_8, %add3A_14 : i32
    %run_scoped3A_16 = arith.constant 0 : i32
    "tpu.region"() ({
      %run_scoped3A_49 = tpu.sem_alloc : memref<!tpu.dma_semaphore, #tpu.memory_space<semaphore_mem>>
      %dma_start3A = arith.constant 0 : i32
      %dma_start3A_50 = arith.constant 0 : i32
      %dma_start3A_51 = tpu.memref_slice %arg7[%run_scoped3A_16, %dma_start3A, %dma_start3A_50] : memref<3x128x128xf32, #tpu.memory_space<vmem>> -> memref<1x128x128xf32, #tpu.memory_space<vmem>>
      %dma_start3A_52 = tpu.memref_squeeze %dma_start3A_51 : memref<1x128x128xf32, #tpu.memory_space<vmem>> -> memref<128x128xf32, #tpu.memory_space<vmem>>
      %dma_start3A_53 = arith.constant 0 : i32
      %dma_start3A_54 = tpu.memref_slice %arg5[%add3A_15, %dma_start3A_53] : memref<10112x128xf32, #tpu.memory_space<vmem_shared>> -> memref<128x128xf32, #tpu.memory_space<vmem_shared>>
      %dma_start3A_55 = arith.constant 0 : i32
      %dma_start3A_56 = tpu.memref_slice %arg5[%add3A_15, %dma_start3A_55] : memref<10112x128xf32, #tpu.memory_space<vmem_shared>> -> memref<128x128xf32, #tpu.memory_space<vmem_shared>>
      %dma_start3A_57 = arith.constant 0 : i32
      %dma_start3A_58 = arith.constant 0 : i32
      %dma_start3A_59 = tpu.memref_slice %arg7[%run_scoped3A_16, %dma_start3A_57, %dma_start3A_58] : memref<3x128x128xf32, #tpu.memory_space<vmem>> -> memref<1x128x128xf32, #tpu.memory_space<vmem>>
      %dma_start3A_60 = tpu.memref_squeeze %dma_start3A_59 : memref<1x128x128xf32, #tpu.memory_space<vmem>> -> memref<128x128xf32, #tpu.memory_space<vmem>>
      tpu.enqueue_dma source(%dma_start3A_60 : memref<128x128xf32, #tpu.memory_space<vmem>>) target(%dma_start3A_56 : memref<128x128xf32, #tpu.memory_space<vmem_shared>>) target_semaphore(%run_scoped3A_49 : memref<!tpu.dma_semaphore, #tpu.memory_space<semaphore_mem>>)
      %dma_wait3A = arith.constant 0 : i32
      %dma_wait3A_61 = arith.constant 0 : i32
      %dma_wait3A_62 = tpu.memref_slice %arg7[%run_scoped3A_16, %dma_wait3A, %dma_wait3A_61] : memref<3x128x128xf32, #tpu.memory_space<vmem>> -> memref<1x128x128xf32, #tpu.memory_space<vmem>>
      %dma_wait3A_63 = tpu.memref_squeeze %dma_wait3A_62 : memref<1x128x128xf32, #tpu.memory_space<vmem>> -> memref<128x128xf32, #tpu.memory_space<vmem>>
      %dma_wait3A_64 = arith.constant 0 : i32
      %dma_wait3A_65 = tpu.memref_slice %arg5[%add3A_15, %dma_wait3A_64] : memref<10112x128xf32, #tpu.memory_space<vmem_shared>> -> memref<128x128xf32, #tpu.memory_space<vmem_shared>>
      %dma_wait3A_66 = arith.constant 0 : i32
      %dma_wait3A_67 = tpu.memref_slice %arg5[%add3A_15, %dma_wait3A_66] : memref<10112x128xf32, #tpu.memory_space<vmem_shared>> -> memref<128x128xf32, #tpu.memory_space<vmem_shared>>
      %dma_wait3A_68 = arith.constant 0 : i32
      %dma_wait3A_69 = arith.constant 0 : i32
      %dma_wait3A_70 = tpu.memref_slice %arg7[%run_scoped3A_16, %dma_wait3A_68, %dma_wait3A_69] : memref<3x128x128xf32, #tpu.memory_space<vmem>> -> memref<1x128x128xf32, #tpu.memory_space<vmem>>
      %dma_wait3A_71 = tpu.memref_squeeze %dma_wait3A_70 : memref<1x128x128xf32, #tpu.memory_space<vmem>> -> memref<128x128xf32, #tpu.memory_space<vmem>>
      tpu.wait_dma2 semaphore(%run_scoped3A_49 : memref<!tpu.dma_semaphore, #tpu.memory_space<semaphore_mem>>) src(%dma_wait3A_71 : memref<128x128xf32, #tpu.memory_space<vmem>>) dst(%dma_wait3A_67 : memref<128x128xf32, #tpu.memory_space<vmem_shared>>)
      tpu.yield
    }) : () -> ()
    %add3A_17 = arith.constant 384 : i32
    %add3A_18 = arith.addi %mul3A_8, %add3A_17 : i32
    %run_scoped3A_19 = arith.constant 0 : i32
    "tpu.region"() ({
      %run_scoped3A_49 = tpu.sem_alloc : memref<!tpu.dma_semaphore, #tpu.memory_space<semaphore_mem>>
      %dma_start3A = arith.constant 0 : i32
      %dma_start3A_50 = arith.constant 0 : i32
      %dma_start3A_51 = tpu.memref_slice %arg7[%run_scoped3A_19, %dma_start3A, %dma_start3A_50] : memref<3x128x128xf32, #tpu.memory_space<vmem>> -> memref<1x128x128xf32, #tpu.memory_space<vmem>>
      %dma_start3A_52 = tpu.memref_squeeze %dma_start3A_51 : memref<1x128x128xf32, #tpu.memory_space<vmem>> -> memref<128x128xf32, #tpu.memory_space<vmem>>
      %dma_start3A_53 = arith.constant 0 : i32
      %dma_start3A_54 = tpu.memref_slice %arg5[%add3A_18, %dma_start3A_53] : memref<10112x128xf32, #tpu.memory_space<vmem_shared>> -> memref<128x128xf32, #tpu.memory_space<vmem_shared>>
      %dma_start3A_55 = arith.constant 0 : i32
      %dma_start3A_56 = tpu.memref_slice %arg5[%add3A_18, %dma_start3A_55] : memref<10112x128xf32, #tpu.memory_space<vmem_shared>> -> memref<128x128xf32, #tpu.memory_space<vmem_shared>>
      %dma_start3A_57 = arith.constant 0 : i32
      %dma_start3A_58 = arith.constant 0 : i32
      %dma_start3A_59 = tpu.memref_slice %arg7[%run_scoped3A_19, %dma_start3A_57, %dma_start3A_58] : memref<3x128x128xf32, #tpu.memory_space<vmem>> -> memref<1x128x128xf32, #tpu.memory_space<vmem>>
      %dma_start3A_60 = tpu.memref_squeeze %dma_start3A_59 : memref<1x128x128xf32, #tpu.memory_space<vmem>> -> memref<128x128xf32, #tpu.memory_space<vmem>>
      tpu.enqueue_dma source(%dma_start3A_60 : memref<128x128xf32, #tpu.memory_space<vmem>>) target(%dma_start3A_56 : memref<128x128xf32, #tpu.memory_space<vmem_shared>>) target_semaphore(%run_scoped3A_49 : memref<!tpu.dma_semaphore, #tpu.memory_space<semaphore_mem>>)
      %dma_wait3A = arith.constant 0 : i32
      %dma_wait3A_61 = arith.constant 0 : i32
      %dma_wait3A_62 = tpu.memref_slice %arg7[%run_scoped3A_19, %dma_wait3A, %dma_wait3A_61] : memref<3x128x128xf32, #tpu.memory_space<vmem>> -> memref<1x128x128xf32, #tpu.memory_space<vmem>>
      %dma_wait3A_63 = tpu.memref_squeeze %dma_wait3A_62 : memref<1x128x128xf32, #tpu.memory_space<vmem>> -> memref<128x128xf32, #tpu.memory_space<vmem>>
      %dma_wait3A_64 = arith.constant 0 : i32
      %dma_wait3A_65 = tpu.memref_slice %arg5[%add3A_18, %dma_wait3A_64] : memref<10112x128xf32, #tpu.memory_space<vmem_shared>> -> memref<128x128xf32, #tpu.memory_space<vmem_shared>>
      %dma_wait3A_66 = arith.constant 0 : i32
      %dma_wait3A_67 = tpu.memref_slice %arg5[%add3A_18, %dma_wait3A_66] : memref<10112x128xf32, #tpu.memory_space<vmem_shared>> -> memref<128x128xf32, #tpu.memory_space<vmem_shared>>
      %dma_wait3A_68 = arith.constant 0 : i32
      %dma_wait3A_69 = arith.constant 0 : i32
      %dma_wait3A_70 = tpu.memref_slice %arg7[%run_scoped3A_19, %dma_wait3A_68, %dma_wait3A_69] : memref<3x128x128xf32, #tpu.memory_space<vmem>> -> memref<1x128x128xf32, #tpu.memory_space<vmem>>
      %dma_wait3A_71 = tpu.memref_squeeze %dma_wait3A_70 : memref<1x128x128xf32, #tpu.memory_space<vmem>> -> memref<128x128xf32, #tpu.memory_space<vmem>>
      tpu.wait_dma2 semaphore(%run_scoped3A_49 : memref<!tpu.dma_semaphore, #tpu.memory_space<semaphore_mem>>) src(%dma_wait3A_71 : memref<128x128xf32, #tpu.memory_space<vmem>>) dst(%dma_wait3A_67 : memref<128x128xf32, #tpu.memory_space<vmem_shared>>)
      tpu.yield
    }) : () -> ()
    %add3A_20 = arith.constant 512 : i32
    %add3A_21 = arith.addi %mul3A_8, %add3A_20 : i32
    %run_scoped3A_22 = arith.constant 0 : i32
    "tpu.region"() ({
      %run_scoped3A_49 = tpu.sem_alloc : memref<!tpu.dma_semaphore, #tpu.memory_space<semaphore_mem>>
      %dma_start3A = arith.constant 0 : i32
      %dma_start3A_50 = arith.constant 0 : i32
      %dma_start3A_51 = tpu.memref_slice %arg7[%run_scoped3A_22, %dma_start3A, %dma_start3A_50] : memref<3x128x128xf32, #tpu.memory_space<vmem>> -> memref<1x120x128xf32, #tpu.memory_space<vmem>>
      %dma_start3A_52 = tpu.memref_squeeze %dma_start3A_51 : memref<1x120x128xf32, #tpu.memory_space<vmem>> -> memref<120x128xf32, #tpu.memory_space<vmem>>
      %dma_start3A_53 = arith.constant 0 : i32
      %dma_start3A_54 = tpu.memref_slice %arg5[%add3A_21, %dma_start3A_53] : memref<10112x128xf32, #tpu.memory_space<vmem_shared>> -> memref<120x128xf32, #tpu.memory_space<vmem_shared>>
      %dma_start3A_55 = arith.constant 0 : i32
      %dma_start3A_56 = tpu.memref_slice %arg5[%add3A_21, %dma_start3A_55] : memref<10112x128xf32, #tpu.memory_space<vmem_shared>> -> memref<120x128xf32, #tpu.memory_space<vmem_shared>>
      %dma_start3A_57 = arith.constant 0 : i32
      %dma_start3A_58 = arith.constant 0 : i32
      %dma_start3A_59 = tpu.memref_slice %arg7[%run_scoped3A_22, %dma_start3A_57, %dma_start3A_58] : memref<3x128x128xf32, #tpu.memory_space<vmem>> -> memref<1x120x128xf32, #tpu.memory_space<vmem>>
      %dma_start3A_60 = tpu.memref_squeeze %dma_start3A_59 : memref<1x120x128xf32, #tpu.memory_space<vmem>> -> memref<120x128xf32, #tpu.memory_space<vmem>>
      tpu.enqueue_dma source(%dma_start3A_60 : memref<120x128xf32, #tpu.memory_space<vmem>>) target(%dma_start3A_56 : memref<120x128xf32, #tpu.memory_space<vmem_shared>>) target_semaphore(%run_scoped3A_49 : memref<!tpu.dma_semaphore, #tpu.memory_space<semaphore_mem>>)
      %dma_wait3A = arith.constant 0 : i32
      %dma_wait3A_61 = arith.constant 0 : i32
      %dma_wait3A_62 = tpu.memref_slice %arg7[%run_scoped3A_22, %dma_wait3A, %dma_wait3A_61] : memref<3x128x128xf32, #tpu.memory_space<vmem>> -> memref<1x120x128xf32, #tpu.memory_space<vmem>>
      %dma_wait3A_63 = tpu.memref_squeeze %dma_wait3A_62 : memref<1x120x128xf32, #tpu.memory_space<vmem>> -> memref<120x128xf32, #tpu.memory_space<vmem>>
      %dma_wait3A_64 = arith.constant 0 : i32
      %dma_wait3A_65 = tpu.memref_slice %arg5[%add3A_21, %dma_wait3A_64] : memref<10112x128xf32, #tpu.memory_space<vmem_shared>> -> memref<120x128xf32, #tpu.memory_space<vmem_shared>>
      %dma_wait3A_66 = arith.constant 0 : i32
      %dma_wait3A_67 = tpu.memref_slice %arg5[%add3A_21, %dma_wait3A_66] : memref<10112x128xf32, #tpu.memory_space<vmem_shared>> -> memref<120x128xf32, #tpu.memory_space<vmem_shared>>
      %dma_wait3A_68 = arith.constant 0 : i32
      %dma_wait3A_69 = arith.constant 0 : i32
      %dma_wait3A_70 = tpu.memref_slice %arg7[%run_scoped3A_22, %dma_wait3A_68, %dma_wait3A_69] : memref<3x128x128xf32, #tpu.memory_space<vmem>> -> memref<1x120x128xf32, #tpu.memory_space<vmem>>
      %dma_wait3A_71 = tpu.memref_squeeze %dma_wait3A_70 : memref<1x120x128xf32, #tpu.memory_space<vmem>> -> memref<120x128xf32, #tpu.memory_space<vmem>>
      tpu.wait_dma2 semaphore(%run_scoped3A_49 : memref<!tpu.dma_semaphore, #tpu.memory_space<semaphore_mem>>) src(%dma_wait3A_71 : memref<120x128xf32, #tpu.memory_space<vmem>>) dst(%dma_wait3A_67 : memref<120x128xf32, #tpu.memory_space<vmem_shared>>)
      tpu.yield
    }) : () -> ()
    %add3A_23 = arith.constant 0 : i32
    %add3A_24 = arith.addi %add3A_23, %add3A : i32
    %lt3A = arith.constant 2500 : i32
    %lt3A_25 = arith.cmpi slt, %add3A_24, %lt3A : i32
    %convert_element_type3A = arith.extui %lt3A_25 : i1 to i32
    %cond3A = arith.constant 0 : i32
    %cond3A_26 = arith.cmpi ne, %convert_element_type3A, %cond3A : i32
    scf.if %cond3A_26 {
      %mul3A_49 = arith.constant 128 : i32
      %mul3A_50 = arith.muli %add3A_24, %mul3A_49 : i32
      %dma_start3A = arith.constant 0 : i32
      %dma_start3A_51 = arith.constant 0 : i32
      %dma_start3A_52 = arith.constant 0 : i32
      %dma_start3A_53 = tpu.memref_slice %arg7[%dma_start3A, %dma_start3A_51, %dma_start3A_52] : memref<3x128x128xf32, #tpu.memory_space<vmem>> -> memref<1x128x128xf32, #tpu.memory_space<vmem>>
      %dma_start3A_54 = tpu.memref_squeeze %dma_start3A_53 : memref<1x128x128xf32, #tpu.memory_space<vmem>> -> memref<128x128xf32, #tpu.memory_space<vmem>>
      %dma_start3A_55 = arith.constant 0 : i32
      %dma_start3A_56 = tpu.memref_slice %arg2[%mul3A_50, %dma_start3A_55] : memref<320000x128xf32, #tpu.memory_space<hbm>> -> memref<128x128xf32, #tpu.memory_space<hbm>>
      %dma_start3A_57 = arith.constant 0 : i32
      %dma_start3A_58 = arith.constant 0 : i32
      %dma_start3A_59 = tpu.memref_slice %arg7[%dma_start3A, %dma_start3A_57, %dma_start3A_58] : memref<3x128x128xf32, #tpu.memory_space<vmem>> -> memref<1x128x128xf32, #tpu.memory_space<vmem>>
      %dma_start3A_60 = tpu.memref_squeeze %dma_start3A_59 : memref<1x128x128xf32, #tpu.memory_space<vmem>> -> memref<128x128xf32, #tpu.memory_space<vmem>>
      %dma_start3A_61 = arith.constant 0 : i32
      %dma_start3A_62 = tpu.memref_slice %arg2[%mul3A_50, %dma_start3A_61] : memref<320000x128xf32, #tpu.memory_space<hbm>> -> memref<128x128xf32, #tpu.memory_space<hbm>>
      tpu.enqueue_dma source(%dma_start3A_62 : memref<128x128xf32, #tpu.memory_space<hbm>>) target(%dma_start3A_60 : memref<128x128xf32, #tpu.memory_space<vmem>>) target_semaphore(%arg8 : memref<!tpu.dma_semaphore, #tpu.memory_space<semaphore_mem>>)
      %mul3A_63 = arith.constant 128 : i32
      %mul3A_64 = arith.muli %add3A_24, %mul3A_63 : i32
      %dma_start3A_65 = arith.constant 0 : i32
      %dma_start3A_66 = arith.constant 0 : i32
      %dma_start3A_67 = tpu.memref_slice %arg6[%dma_start3A_65, %dma_start3A_66] : memref<3x128xi32, #tpu.memory_space<vmem>> -> memref<1x128xi32, #tpu.memory_space<vmem>>
      %dma_start3A_68 = tpu.memref_squeeze %dma_start3A_67 : memref<1x128xi32, #tpu.memory_space<vmem>> -> memref<128xi32, #tpu.memory_space<vmem>>
      %dma_start3A_69 = tpu.memref_slice %arg3[%mul3A_64] : memref<320000xi32, #tpu.memory_space<hbm>> -> memref<128xi32, #tpu.memory_space<hbm>>
      %dma_start3A_70 = arith.constant 0 : i32
      %dma_start3A_71 = tpu.memref_slice %arg6[%dma_start3A_65, %dma_start3A_70] : memref<3x128xi32, #tpu.memory_space<vmem>> -> memref<1x128xi32, #tpu.memory_space<vmem>>
      %dma_start3A_72 = tpu.memref_squeeze %dma_start3A_71 : memref<1x128xi32, #tpu.memory_space<vmem>> -> memref<128xi32, #tpu.memory_space<vmem>>
      %dma_start3A_73 = tpu.memref_slice %arg3[%mul3A_64] : memref<320000xi32, #tpu.memory_space<hbm>> -> memref<128xi32, #tpu.memory_space<hbm>>
      tpu.enqueue_dma source(%dma_start3A_73 : memref<128xi32, #tpu.memory_space<hbm>>) target(%dma_start3A_72 : memref<128xi32, #tpu.memory_space<vmem>>) target_semaphore(%arg8 : memref<!tpu.dma_semaphore, #tpu.memory_space<semaphore_mem>>)
    } else {
    }
    %add3A_27 = arith.constant 32 : i32
    %add3A_28 = arith.addi %add3A_27, %add3A : i32
    %lt3A_29 = arith.constant 2500 : i32
    %lt3A_30 = arith.cmpi slt, %add3A_28, %lt3A_29 : i32
    %convert_element_type3A_31 = arith.extui %lt3A_30 : i1 to i32
    %cond3A_32 = arith.constant 0 : i32
    %cond3A_33 = arith.cmpi ne, %convert_element_type3A_31, %cond3A_32 : i32
    scf.if %cond3A_33 {
      %mul3A_49 = arith.constant 128 : i32
      %mul3A_50 = arith.muli %add3A_28, %mul3A_49 : i32
      %dma_start3A = arith.constant 1 : i32
      %dma_start3A_51 = arith.constant 0 : i32
      %dma_start3A_52 = arith.constant 0 : i32
      %dma_start3A_53 = tpu.memref_slice %arg7[%dma_start3A, %dma_start3A_51, %dma_start3A_52] : memref<3x128x128xf32, #tpu.memory_space<vmem>> -> memref<1x128x128xf32, #tpu.memory_space<vmem>>
      %dma_start3A_54 = tpu.memref_squeeze %dma_start3A_53 : memref<1x128x128xf32, #tpu.memory_space<vmem>> -> memref<128x128xf32, #tpu.memory_space<vmem>>
      %dma_start3A_55 = arith.constant 0 : i32
      %dma_start3A_56 = tpu.memref_slice %arg2[%mul3A_50, %dma_start3A_55] : memref<320000x128xf32, #tpu.memory_space<hbm>> -> memref<128x128xf32, #tpu.memory_space<hbm>>
      %dma_start3A_57 = arith.constant 0 : i32
      %dma_start3A_58 = arith.constant 0 : i32
      %dma_start3A_59 = tpu.memref_slice %arg7[%dma_start3A, %dma_start3A_57, %dma_start3A_58] : memref<3x128x128xf32, #tpu.memory_space<vmem>> -> memref<1x128x128xf32, #tpu.memory_space<vmem>>
      %dma_start3A_60 = tpu.memref_squeeze %dma_start3A_59 : memref<1x128x128xf32, #tpu.memory_space<vmem>> -> memref<128x128xf32, #tpu.memory_space<vmem>>
      %dma_start3A_61 = arith.constant 0 : i32
      %dma_start3A_62 = tpu.memref_slice %arg2[%mul3A_50, %dma_start3A_61] : memref<320000x128xf32, #tpu.memory_space<hbm>> -> memref<128x128xf32, #tpu.memory_space<hbm>>
      tpu.enqueue_dma source(%dma_start3A_62 : memref<128x128xf32, #tpu.memory_space<hbm>>) target(%dma_start3A_60 : memref<128x128xf32, #tpu.memory_space<vmem>>) target_semaphore(%arg9 : memref<!tpu.dma_semaphore, #tpu.memory_space<semaphore_mem>>)
      %mul3A_63 = arith.constant 128 : i32
      %mul3A_64 = arith.muli %add3A_28, %mul3A_63 : i32
      %dma_start3A_65 = arith.constant 1 : i32
      %dma_start3A_66 = arith.constant 0 : i32
      %dma_start3A_67 = tpu.memref_slice %arg6[%dma_start3A_65, %dma_start3A_66] : memref<3x128xi32, #tpu.memory_space<vmem>> -> memref<1x128xi32, #tpu.memory_space<vmem>>
      %dma_start3A_68 = tpu.memref_squeeze %dma_start3A_67 : memref<1x128xi32, #tpu.memory_space<vmem>> -> memref<128xi32, #tpu.memory_space<vmem>>
      %dma_start3A_69 = tpu.memref_slice %arg3[%mul3A_64] : memref<320000xi32, #tpu.memory_space<hbm>> -> memref<128xi32, #tpu.memory_space<hbm>>
      %dma_start3A_70 = arith.constant 0 : i32
      %dma_start3A_71 = tpu.memref_slice %arg6[%dma_start3A_65, %dma_start3A_70] : memref<3x128xi32, #tpu.memory_space<vmem>> -> memref<1x128xi32, #tpu.memory_space<vmem>>
      %dma_start3A_72 = tpu.memref_squeeze %dma_start3A_71 : memref<1x128xi32, #tpu.memory_space<vmem>> -> memref<128xi32, #tpu.memory_space<vmem>>
      %dma_start3A_73 = tpu.memref_slice %arg3[%mul3A_64] : memref<320000xi32, #tpu.memory_space<hbm>> -> memref<128xi32, #tpu.memory_space<hbm>>
      tpu.enqueue_dma source(%dma_start3A_73 : memref<128xi32, #tpu.memory_space<hbm>>) target(%dma_start3A_72 : memref<128xi32, #tpu.memory_space<vmem>>) target_semaphore(%arg9 : memref<!tpu.dma_semaphore, #tpu.memory_space<semaphore_mem>>)
    } else {
    }
    %add3A_34 = arith.constant 64 : i32
    %add3A_35 = arith.addi %add3A_34, %add3A : i32
    %lt3A_36 = arith.constant 2500 : i32
    %lt3A_37 = arith.cmpi slt, %add3A_35, %lt3A_36 : i32
    %convert_element_type3A_38 = arith.extui %lt3A_37 : i1 to i32
    %cond3A_39 = arith.constant 0 : i32
    %cond3A_40 = arith.cmpi ne, %convert_element_type3A_38, %cond3A_39 : i32
    scf.if %cond3A_40 {
      %mul3A_49 = arith.constant 128 : i32
      %mul3A_50 = arith.muli %add3A_35, %mul3A_49 : i32
      %dma_start3A = arith.constant 2 : i32
      %dma_start3A_51 = arith.constant 0 : i32
      %dma_start3A_52 = arith.constant 0 : i32
      %dma_start3A_53 = tpu.memref_slice %arg7[%dma_start3A, %dma_start3A_51, %dma_start3A_52] : memref<3x128x128xf32, #tpu.memory_space<vmem>> -> memref<1x128x128xf32, #tpu.memory_space<vmem>>
      %dma_start3A_54 = tpu.memref_squeeze %dma_start3A_53 : memref<1x128x128xf32, #tpu.memory_space<vmem>> -> memref<128x128xf32, #tpu.memory_space<vmem>>
      %dma_start3A_55 = arith.constant 0 : i32
      %dma_start3A_56 = tpu.memref_slice %arg2[%mul3A_50, %dma_start3A_55] : memref<320000x128xf32, #tpu.memory_space<hbm>> -> memref<128x128xf32, #tpu.memory_space<hbm>>
      %dma_start3A_57 = arith.constant 0 : i32
      %dma_start3A_58 = arith.constant 0 : i32
      %dma_start3A_59 = tpu.memref_slice %arg7[%dma_start3A, %dma_start3A_57, %dma_start3A_58] : memref<3x128x128xf32, #tpu.memory_space<vmem>> -> memref<1x128x128xf32, #tpu.memory_space<vmem>>
      %dma_start3A_60 = tpu.memref_squeeze %dma_start3A_59 : memref<1x128x128xf32, #tpu.memory_space<vmem>> -> memref<128x128xf32, #tpu.memory_space<vmem>>
      %dma_start3A_61 = arith.constant 0 : i32
      %dma_start3A_62 = tpu.memref_slice %arg2[%mul3A_50, %dma_start3A_61] : memref<320000x128xf32, #tpu.memory_space<hbm>> -> memref<128x128xf32, #tpu.memory_space<hbm>>
      tpu.enqueue_dma source(%dma_start3A_62 : memref<128x128xf32, #tpu.memory_space<hbm>>) target(%dma_start3A_60 : memref<128x128xf32, #tpu.memory_space<vmem>>) target_semaphore(%arg10 : memref<!tpu.dma_semaphore, #tpu.memory_space<semaphore_mem>>)
      %mul3A_63 = arith.constant 128 : i32
      %mul3A_64 = arith.muli %add3A_35, %mul3A_63 : i32
      %dma_start3A_65 = arith.constant 2 : i32
      %dma_start3A_66 = arith.constant 0 : i32
      %dma_start3A_67 = tpu.memref_slice %arg6[%dma_start3A_65, %dma_start3A_66] : memref<3x128xi32, #tpu.memory_space<vmem>> -> memref<1x128xi32, #tpu.memory_space<vmem>>
      %dma_start3A_68 = tpu.memref_squeeze %dma_start3A_67 : memref<1x128xi32, #tpu.memory_space<vmem>> -> memref<128xi32, #tpu.memory_space<vmem>>
      %dma_start3A_69 = tpu.memref_slice %arg3[%mul3A_64] : memref<320000xi32, #tpu.memory_space<hbm>> -> memref<128xi32, #tpu.memory_space<hbm>>
      %dma_start3A_70 = arith.constant 0 : i32
      %dma_start3A_71 = tpu.memref_slice %arg6[%dma_start3A_65, %dma_start3A_70] : memref<3x128xi32, #tpu.memory_space<vmem>> -> memref<1x128xi32, #tpu.memory_space<vmem>>
      %dma_start3A_72 = tpu.memref_squeeze %dma_start3A_71 : memref<1x128xi32, #tpu.memory_space<vmem>> -> memref<128xi32, #tpu.memory_space<vmem>>
      %dma_start3A_73 = tpu.memref_slice %arg3[%mul3A_64] : memref<320000xi32, #tpu.memory_space<hbm>> -> memref<128xi32, #tpu.memory_space<hbm>>
      tpu.enqueue_dma source(%dma_start3A_73 : memref<128xi32, #tpu.memory_space<hbm>>) target(%dma_start3A_72 : memref<128xi32, #tpu.memory_space<vmem>>) target_semaphore(%arg10 : memref<!tpu.dma_semaphore, #tpu.memory_space<semaphore_mem>>)
    } else {
    }
    %barrier3A = arith.constant 0 : index
    tpu.barrier barrier_id(%barrier3A)
    %scan3A_41 = arith.constant 0 : i32
    %scan3A_42 = arith.constant 0 : i32
    %scan3A_43 = arith.constant 27 : i32
    %scan3A_44 = arith.addi %scan3A_42, %scan3A_43 : i32
    %scan3A_45 = arith.constant 1 : i32
    %scan3A_46 = scf.for %scan3A_49 = %scan3A_42 to %scan3A_44 step %scan3A_45 iter_args(%scan3A_50 = %scan3A_41) -> (i32)  : i32 {
      %mul3A_51 = arith.constant 3 : i32
      %mul3A_52 = arith.muli %scan3A_49, %mul3A_51 : i32
      %add3A_53 = arith.constant 0 : i32
      %add3A_54 = arith.addi %mul3A_52, %add3A_53 : i32
      %mul3A_55 = arith.constant 32 : i32
      %mul3A_56 = arith.muli %add3A_54, %mul3A_55 : i32
      %add3A_57 = arith.addi %mul3A_56, %add3A : i32
      %mul3A_58 = arith.constant 32 : i32
      %mul3A_59 = arith.muli %add3A_54, %mul3A_58 : i32
      %add3A_60 = arith.addi %mul3A_59, %add3A : i32
      %lt3A_61 = arith.constant 2500 : i32
      %lt3A_62 = arith.cmpi slt, %add3A_60, %lt3A_61 : i32
      %convert_element_type3A_63 = arith.extui %lt3A_62 : i1 to i32
      %cond3A_64 = arith.constant 0 : i32
      %cond3A_65 = arith.cmpi ne, %convert_element_type3A_63, %cond3A_64 : i32
      scf.if %cond3A_65 {
        %mul3A_142 = arith.constant 128 : i32
        %mul3A_143 = arith.muli %add3A_60, %mul3A_142 : i32
        %dma_wait3A = arith.constant 0 : i32
        %dma_wait3A_144 = arith.constant 0 : i32
        %dma_wait3A_145 = arith.constant 0 : i32
        %dma_wait3A_146 = tpu.memref_slice %arg7[%dma_wait3A, %dma_wait3A_144, %dma_wait3A_145] : memref<3x128x128xf32, #tpu.memory_space<vmem>> -> memref<1x128x128xf32, #tpu.memory_space<vmem>>
        %dma_wait3A_147 = tpu.memref_squeeze %dma_wait3A_146 : memref<1x128x128xf32, #tpu.memory_space<vmem>> -> memref<128x128xf32, #tpu.memory_space<vmem>>
        %dma_wait3A_148 = arith.constant 0 : i32
        %dma_wait3A_149 = tpu.memref_slice %arg2[%mul3A_143, %dma_wait3A_148] : memref<320000x128xf32, #tpu.memory_space<hbm>> -> memref<128x128xf32, #tpu.memory_space<hbm>>
        %dma_wait3A_150 = arith.constant 0 : i32
        %dma_wait3A_151 = arith.constant 0 : i32
        %dma_wait3A_152 = tpu.memref_slice %arg7[%dma_wait3A, %dma_wait3A_150, %dma_wait3A_151] : memref<3x128x128xf32, #tpu.memory_space<vmem>> -> memref<1x128x128xf32, #tpu.memory_space<vmem>>
        %dma_wait3A_153 = tpu.memref_squeeze %dma_wait3A_152 : memref<1x128x128xf32, #tpu.memory_space<vmem>> -> memref<128x128xf32, #tpu.memory_space<vmem>>
        %dma_wait3A_154 = arith.constant 0 : i32
        %dma_wait3A_155 = tpu.memref_slice %arg2[%mul3A_143, %dma_wait3A_154] : memref<320000x128xf32, #tpu.memory_space<hbm>> -> memref<128x128xf32, #tpu.memory_space<hbm>>
        tpu.wait_dma2 semaphore(%arg8 : memref<!tpu.dma_semaphore, #tpu.memory_space<semaphore_mem>>) src(%dma_wait3A_155 : memref<128x128xf32, #tpu.memory_space<hbm>>) dst(%dma_wait3A_153 : memref<128x128xf32, #tpu.memory_space<vmem>>)
        %mul3A_156 = arith.constant 128 : i32
        %mul3A_157 = arith.muli %add3A_60, %mul3A_156 : i32
        %dma_wait3A_158 = arith.constant 0 : i32
        %dma_wait3A_159 = arith.constant 0 : i32
        %dma_wait3A_160 = tpu.memref_slice %arg6[%dma_wait3A_158, %dma_wait3A_159] : memref<3x128xi32, #tpu.memory_space<vmem>> -> memref<1x128xi32, #tpu.memory_space<vmem>>
        %dma_wait3A_161 = tpu.memref_squeeze %dma_wait3A_160 : memref<1x128xi32, #tpu.memory_space<vmem>> -> memref<128xi32, #tpu.memory_space<vmem>>
        %dma_wait3A_162 = tpu.memref_slice %arg3[%mul3A_157] : memref<320000xi32, #tpu.memory_space<hbm>> -> memref<128xi32, #tpu.memory_space<hbm>>
        %dma_wait3A_163 = arith.constant 0 : i32
        %dma_wait3A_164 = tpu.memref_slice %arg6[%dma_wait3A_158, %dma_wait3A_163] : memref<3x128xi32, #tpu.memory_space<vmem>> -> memref<1x128xi32, #tpu.memory_space<vmem>>
        %dma_wait3A_165 = tpu.memref_squeeze %dma_wait3A_164 : memref<1x128xi32, #tpu.memory_space<vmem>> -> memref<128xi32, #tpu.memory_space<vmem>>
        %dma_wait3A_166 = tpu.memref_slice %arg3[%mul3A_157] : memref<320000xi32, #tpu.memory_space<hbm>> -> memref<128xi32, #tpu.memory_space<hbm>>
        tpu.wait_dma2 semaphore(%arg8 : memref<!tpu.dma_semaphore, #tpu.memory_space<semaphore_mem>>) src(%dma_wait3A_166 : memref<128xi32, #tpu.memory_space<hbm>>) dst(%dma_wait3A_165 : memref<128xi32, #tpu.memory_space<vmem>>)
      } else {
      }
      %lt3A_66 = arith.constant 2500 : i32
      %lt3A_67 = arith.cmpi slt, %add3A_57, %lt3A_66 : i32
      %convert_element_type3A_68 = arith.extui %lt3A_67 : i1 to i32
      %cond3A_69 = arith.constant 0 : i32
      %cond3A_70 = arith.cmpi ne, %convert_element_type3A_68, %cond3A_69 : i32
      scf.if %cond3A_70 {
        %run_scoped3A_142 = arith.constant 0 : i32
        %run_scoped3A_143 = arith.constant 0 : i32
        "tpu.region"() ({
          %run_scoped3A_144 = tpu.sem_alloc : memref<!tpu.dma_semaphore, #tpu.memory_space<semaphore_mem>>
          %dma_start3A = arith.constant 0 : i32
          %dma_start3A_145 = arith.constant 0 : i32
          %dma_start3A_146 = tpu.memref_slice %arg7[%run_scoped3A_142, %dma_start3A, %dma_start3A_145] : memref<3x128x128xf32, #tpu.memory_space<vmem>> -> memref<1x128x128xf32, #tpu.memory_space<vmem>>
          %dma_start3A_147 = tpu.memref_squeeze %dma_start3A_146 : memref<1x128x128xf32, #tpu.memory_space<vmem>> -> memref<128x128xf32, #tpu.memory_space<vmem>>
          %dma_start3A_148 = arith.constant 0 : i32
          %dma_start3A_149 = tpu.memref_slice %arg6[%run_scoped3A_143, %dma_start3A_148] : memref<3x128xi32, #tpu.memory_space<vmem>> -> memref<1x128xi32, #tpu.memory_space<vmem>>
          %dma_start3A_150 = tpu.memref_squeeze %dma_start3A_149 : memref<1x128xi32, #tpu.memory_space<vmem>> -> memref<128xi32, #tpu.memory_space<vmem>>
          %dma_start3A_151 = arith.constant 0 : i32
          %dma_start3A_152 = arith.constant 0 : i32
          %dma_start3A_153 = tpu.memref_slice %arg5[%dma_start3A_151, %dma_start3A_152] : memref<10112x128xf32, #tpu.memory_space<vmem_shared>> -> memref<10112x128xf32, #tpu.memory_space<vmem_shared>>
          tpu.enqueue_indirect_dma source(%dma_start3A_147 : memref<128x128xf32, #tpu.memory_space<vmem>>) target(%dma_start3A_153 : memref<10112x128xf32, #tpu.memory_space<vmem_shared>>) offsets(%dma_start3A_150 : memref<128xi32, #tpu.memory_space<vmem>>) semaphore(%run_scoped3A_144 : memref<!tpu.dma_semaphore, #tpu.memory_space<semaphore_mem>>) {add = true}
          %dma_wait3A = arith.constant 0 : i32
          %dma_wait3A_154 = arith.constant 0 : i32
          %dma_wait3A_155 = tpu.memref_slice %arg7[%run_scoped3A_142, %dma_wait3A, %dma_wait3A_154] : memref<3x128x128xf32, #tpu.memory_space<vmem>> -> memref<1x128x128xf32, #tpu.memory_space<vmem>>
          %dma_wait3A_156 = tpu.memref_squeeze %dma_wait3A_155 : memref<1x128x128xf32, #tpu.memory_space<vmem>> -> memref<128x128xf32, #tpu.memory_space<vmem>>
          %dma_wait3A_157 = arith.constant 0 : i32
          %dma_wait3A_158 = tpu.memref_slice %arg6[%run_scoped3A_143, %dma_wait3A_157] : memref<3x128xi32, #tpu.memory_space<vmem>> -> memref<1x128xi32, #tpu.memory_space<vmem>>
          %dma_wait3A_159 = tpu.memref_squeeze %dma_wait3A_158 : memref<1x128xi32, #tpu.memory_space<vmem>> -> memref<128xi32, #tpu.memory_space<vmem>>
          %dma_wait3A_160 = arith.constant 0 : i32
          %dma_wait3A_161 = arith.constant 0 : i32
          %dma_wait3A_162 = tpu.memref_slice %arg5[%dma_wait3A_160, %dma_wait3A_161] : memref<10112x128xf32, #tpu.memory_space<vmem_shared>> -> memref<10112x128xf32, #tpu.memory_space<vmem_shared>>
          tpu.wait_indirect_dma semaphore(%run_scoped3A_144 : memref<!tpu.dma_semaphore, #tpu.memory_space<semaphore_mem>>) src(%dma_wait3A_156 : memref<128x128xf32, #tpu.memory_space<vmem>>) dst(%dma_wait3A_162 : memref<10112x128xf32, #tpu.memory_space<vmem_shared>>)
          tpu.yield
        }) : () -> ()
      } else {
      }
      %add3A_71 = arith.constant 3 : i32
      %add3A_72 = arith.addi %add3A_54, %add3A_71 : i32
      %mul3A_73 = arith.constant 32 : i32
      %mul3A_74 = arith.muli %add3A_72, %mul3A_73 : i32
      %add3A_75 = arith.addi %mul3A_74, %add3A : i32
      %lt3A_76 = arith.constant 2500 : i32
      %lt3A_77 = arith.cmpi slt, %add3A_75, %lt3A_76 : i32
      %convert_element_type3A_78 = arith.extui %lt3A_77 : i1 to i32
      %cond3A_79 = arith.constant 0 : i32
      %cond3A_80 = arith.cmpi ne, %convert_element_type3A_78, %cond3A_79 : i32
      scf.if %cond3A_80 {
        %mul3A_142 = arith.constant 128 : i32
        %mul3A_143 = arith.muli %add3A_75, %mul3A_142 : i32
        %dma_start3A = arith.constant 0 : i32
        %dma_start3A_144 = arith.constant 0 : i32
        %dma_start3A_145 = arith.constant 0 : i32
        %dma_start3A_146 = tpu.memref_slice %arg7[%dma_start3A, %dma_start3A_144, %dma_start3A_145] : memref<3x128x128xf32, #tpu.memory_space<vmem>> -> memref<1x128x128xf32, #tpu.memory_space<vmem>>
        %dma_start3A_147 = tpu.memref_squeeze %dma_start3A_146 : memref<1x128x128xf32, #tpu.memory_space<vmem>> -> memref<128x128xf32, #tpu.memory_space<vmem>>
        %dma_start3A_148 = arith.constant 0 : i32
        %dma_start3A_149 = tpu.memref_slice %arg2[%mul3A_143, %dma_start3A_148] : memref<320000x128xf32, #tpu.memory_space<hbm>> -> memref<128x128xf32, #tpu.memory_space<hbm>>
        %dma_start3A_150 = arith.constant 0 : i32
        %dma_start3A_151 = arith.constant 0 : i32
        %dma_start3A_152 = tpu.memref_slice %arg7[%dma_start3A, %dma_start3A_150, %dma_start3A_151] : memref<3x128x128xf32, #tpu.memory_space<vmem>> -> memref<1x128x128xf32, #tpu.memory_space<vmem>>
        %dma_start3A_153 = tpu.memref_squeeze %dma_start3A_152 : memref<1x128x128xf32, #tpu.memory_space<vmem>> -> memref<128x128xf32, #tpu.memory_space<vmem>>
        %dma_start3A_154 = arith.constant 0 : i32
        %dma_start3A_155 = tpu.memref_slice %arg2[%mul3A_143, %dma_start3A_154] : memref<320000x128xf32, #tpu.memory_space<hbm>> -> memref<128x128xf32, #tpu.memory_space<hbm>>
        tpu.enqueue_dma source(%dma_start3A_155 : memref<128x128xf32, #tpu.memory_space<hbm>>) target(%dma_start3A_153 : memref<128x128xf32, #tpu.memory_space<vmem>>) target_semaphore(%arg8 : memref<!tpu.dma_semaphore, #tpu.memory_space<semaphore_mem>>)
        %mul3A_156 = arith.constant 128 : i32
        %mul3A_157 = arith.muli %add3A_75, %mul3A_156 : i32
        %dma_start3A_158 = arith.constant 0 : i32
        %dma_start3A_159 = arith.constant 0 : i32
        %dma_start3A_160 = tpu.memref_slice %arg6[%dma_start3A_158, %dma_start3A_159] : memref<3x128xi32, #tpu.memory_space<vmem>> -> memref<1x128xi32, #tpu.memory_space<vmem>>
        %dma_start3A_161 = tpu.memref_squeeze %dma_start3A_160 : memref<1x128xi32, #tpu.memory_space<vmem>> -> memref<128xi32, #tpu.memory_space<vmem>>
        %dma_start3A_162 = tpu.memref_slice %arg3[%mul3A_157] : memref<320000xi32, #tpu.memory_space<hbm>> -> memref<128xi32, #tpu.memory_space<hbm>>
        %dma_start3A_163 = arith.constant 0 : i32
        %dma_start3A_164 = tpu.memref_slice %arg6[%dma_start3A_158, %dma_start3A_163] : memref<3x128xi32, #tpu.memory_space<vmem>> -> memref<1x128xi32, #tpu.memory_space<vmem>>
        %dma_start3A_165 = tpu.memref_squeeze %dma_start3A_164 : memref<1x128xi32, #tpu.memory_space<vmem>> -> memref<128xi32, #tpu.memory_space<vmem>>
        %dma_start3A_166 = tpu.memref_slice %arg3[%mul3A_157] : memref<320000xi32, #tpu.memory_space<hbm>> -> memref<128xi32, #tpu.memory_space<hbm>>
        tpu.enqueue_dma source(%dma_start3A_166 : memref<128xi32, #tpu.memory_space<hbm>>) target(%dma_start3A_165 : memref<128xi32, #tpu.memory_space<vmem>>) target_semaphore(%arg8 : memref<!tpu.dma_semaphore, #tpu.memory_space<semaphore_mem>>)
      } else {
      }
      %mul3A_81 = arith.constant 3 : i32
      %mul3A_82 = arith.muli %scan3A_49, %mul3A_81 : i32
      %add3A_83 = arith.constant 1 : i32
      %add3A_84 = arith.addi %mul3A_82, %add3A_83 : i32
      %mul3A_85 = arith.constant 32 : i32
      %mul3A_86 = arith.muli %add3A_84, %mul3A_85 : i32
      %add3A_87 = arith.addi %mul3A_86, %add3A : i32
      %mul3A_88 = arith.constant 32 : i32
      %mul3A_89 = arith.muli %add3A_84, %mul3A_88 : i32
      %add3A_90 = arith.addi %mul3A_89, %add3A : i32
      %lt3A_91 = arith.constant 2500 : i32
      %lt3A_92 = arith.cmpi slt, %add3A_90, %lt3A_91 : i32
      %convert_element_type3A_93 = arith.extui %lt3A_92 : i1 to i32
      %cond3A_94 = arith.constant 0 : i32
      %cond3A_95 = arith.cmpi ne, %convert_element_type3A_93, %cond3A_94 : i32
      scf.if %cond3A_95 {
        %mul3A_142 = arith.constant 128 : i32
        %mul3A_143 = arith.muli %add3A_90, %mul3A_142 : i32
        %dma_wait3A = arith.constant 1 : i32
        %dma_wait3A_144 = arith.constant 0 : i32
        %dma_wait3A_145 = arith.constant 0 : i32
        %dma_wait3A_146 = tpu.memref_slice %arg7[%dma_wait3A, %dma_wait3A_144, %dma_wait3A_145] : memref<3x128x128xf32, #tpu.memory_space<vmem>> -> memref<1x128x128xf32, #tpu.memory_space<vmem>>
        %dma_wait3A_147 = tpu.memref_squeeze %dma_wait3A_146 : memref<1x128x128xf32, #tpu.memory_space<vmem>> -> memref<128x128xf32, #tpu.memory_space<vmem>>
        %dma_wait3A_148 = arith.constant 0 : i32
        %dma_wait3A_149 = tpu.memref_slice %arg2[%mul3A_143, %dma_wait3A_148] : memref<320000x128xf32, #tpu.memory_space<hbm>> -> memref<128x128xf32, #tpu.memory_space<hbm>>
        %dma_wait3A_150 = arith.constant 0 : i32
        %dma_wait3A_151 = arith.constant 0 : i32
        %dma_wait3A_152 = tpu.memref_slice %arg7[%dma_wait3A, %dma_wait3A_150, %dma_wait3A_151] : memref<3x128x128xf32, #tpu.memory_space<vmem>> -> memref<1x128x128xf32, #tpu.memory_space<vmem>>
        %dma_wait3A_153 = tpu.memref_squeeze %dma_wait3A_152 : memref<1x128x128xf32, #tpu.memory_space<vmem>> -> memref<128x128xf32, #tpu.memory_space<vmem>>
        %dma_wait3A_154 = arith.constant 0 : i32
        %dma_wait3A_155 = tpu.memref_slice %arg2[%mul3A_143, %dma_wait3A_154] : memref<320000x128xf32, #tpu.memory_space<hbm>> -> memref<128x128xf32, #tpu.memory_space<hbm>>
        tpu.wait_dma2 semaphore(%arg9 : memref<!tpu.dma_semaphore, #tpu.memory_space<semaphore_mem>>) src(%dma_wait3A_155 : memref<128x128xf32, #tpu.memory_space<hbm>>) dst(%dma_wait3A_153 : memref<128x128xf32, #tpu.memory_space<vmem>>)
        %mul3A_156 = arith.constant 128 : i32
        %mul3A_157 = arith.muli %add3A_90, %mul3A_156 : i32
        %dma_wait3A_158 = arith.constant 1 : i32
        %dma_wait3A_159 = arith.constant 0 : i32
        %dma_wait3A_160 = tpu.memref_slice %arg6[%dma_wait3A_158, %dma_wait3A_159] : memref<3x128xi32, #tpu.memory_space<vmem>> -> memref<1x128xi32, #tpu.memory_space<vmem>>
        %dma_wait3A_161 = tpu.memref_squeeze %dma_wait3A_160 : memref<1x128xi32, #tpu.memory_space<vmem>> -> memref<128xi32, #tpu.memory_space<vmem>>
        %dma_wait3A_162 = tpu.memref_slice %arg3[%mul3A_157] : memref<320000xi32, #tpu.memory_space<hbm>> -> memref<128xi32, #tpu.memory_space<hbm>>
        %dma_wait3A_163 = arith.constant 0 : i32
        %dma_wait3A_164 = tpu.memref_slice %arg6[%dma_wait3A_158, %dma_wait3A_163] : memref<3x128xi32, #tpu.memory_space<vmem>> -> memref<1x128xi32, #tpu.memory_space<vmem>>
        %dma_wait3A_165 = tpu.memref_squeeze %dma_wait3A_164 : memref<1x128xi32, #tpu.memory_space<vmem>> -> memref<128xi32, #tpu.memory_space<vmem>>
        %dma_wait3A_166 = tpu.memref_slice %arg3[%mul3A_157] : memref<320000xi32, #tpu.memory_space<hbm>> -> memref<128xi32, #tpu.memory_space<hbm>>
        tpu.wait_dma2 semaphore(%arg9 : memref<!tpu.dma_semaphore, #tpu.memory_space<semaphore_mem>>) src(%dma_wait3A_166 : memref<128xi32, #tpu.memory_space<hbm>>) dst(%dma_wait3A_165 : memref<128xi32, #tpu.memory_space<vmem>>)
      } else {
      }
      %lt3A_96 = arith.constant 2500 : i32
      %lt3A_97 = arith.cmpi slt, %add3A_87, %lt3A_96 : i32
      %convert_element_type3A_98 = arith.extui %lt3A_97 : i1 to i32
      %cond3A_99 = arith.constant 0 : i32
      %cond3A_100 = arith.cmpi ne, %convert_element_type3A_98, %cond3A_99 : i32
      scf.if %cond3A_100 {
        %run_scoped3A_142 = arith.constant 1 : i32
        %run_scoped3A_143 = arith.constant 1 : i32
        "tpu.region"() ({
          %run_scoped3A_144 = tpu.sem_alloc : memref<!tpu.dma_semaphore, #tpu.memory_space<semaphore_mem>>
          %dma_start3A = arith.constant 0 : i32
          %dma_start3A_145 = arith.constant 0 : i32
          %dma_start3A_146 = tpu.memref_slice %arg7[%run_scoped3A_142, %dma_start3A, %dma_start3A_145] : memref<3x128x128xf32, #tpu.memory_space<vmem>> -> memref<1x128x128xf32, #tpu.memory_space<vmem>>
          %dma_start3A_147 = tpu.memref_squeeze %dma_start3A_146 : memref<1x128x128xf32, #tpu.memory_space<vmem>> -> memref<128x128xf32, #tpu.memory_space<vmem>>
          %dma_start3A_148 = arith.constant 0 : i32
          %dma_start3A_149 = tpu.memref_slice %arg6[%run_scoped3A_143, %dma_start3A_148] : memref<3x128xi32, #tpu.memory_space<vmem>> -> memref<1x128xi32, #tpu.memory_space<vmem>>
          %dma_start3A_150 = tpu.memref_squeeze %dma_start3A_149 : memref<1x128xi32, #tpu.memory_space<vmem>> -> memref<128xi32, #tpu.memory_space<vmem>>
          %dma_start3A_151 = arith.constant 0 : i32
          %dma_start3A_152 = arith.constant 0 : i32
          %dma_start3A_153 = tpu.memref_slice %arg5[%dma_start3A_151, %dma_start3A_152] : memref<10112x128xf32, #tpu.memory_space<vmem_shared>> -> memref<10112x128xf32, #tpu.memory_space<vmem_shared>>
          tpu.enqueue_indirect_dma source(%dma_start3A_147 : memref<128x128xf32, #tpu.memory_space<vmem>>) target(%dma_start3A_153 : memref<10112x128xf32, #tpu.memory_space<vmem_shared>>) offsets(%dma_start3A_150 : memref<128xi32, #tpu.memory_space<vmem>>) semaphore(%run_scoped3A_144 : memref<!tpu.dma_semaphore, #tpu.memory_space<semaphore_mem>>) {add = true}
          %dma_wait3A = arith.constant 0 : i32
          %dma_wait3A_154 = arith.constant 0 : i32
          %dma_wait3A_155 = tpu.memref_slice %arg7[%run_scoped3A_142, %dma_wait3A, %dma_wait3A_154] : memref<3x128x128xf32, #tpu.memory_space<vmem>> -> memref<1x128x128xf32, #tpu.memory_space<vmem>>
          %dma_wait3A_156 = tpu.memref_squeeze %dma_wait3A_155 : memref<1x128x128xf32, #tpu.memory_space<vmem>> -> memref<128x128xf32, #tpu.memory_space<vmem>>
          %dma_wait3A_157 = arith.constant 0 : i32
          %dma_wait3A_158 = tpu.memref_slice %arg6[%run_scoped3A_143, %dma_wait3A_157] : memref<3x128xi32, #tpu.memory_space<vmem>> -> memref<1x128xi32, #tpu.memory_space<vmem>>
          %dma_wait3A_159 = tpu.memref_squeeze %dma_wait3A_158 : memref<1x128xi32, #tpu.memory_space<vmem>> -> memref<128xi32, #tpu.memory_space<vmem>>
          %dma_wait3A_160 = arith.constant 0 : i32
          %dma_wait3A_161 = arith.constant 0 : i32
          %dma_wait3A_162 = tpu.memref_slice %arg5[%dma_wait3A_160, %dma_wait3A_161] : memref<10112x128xf32, #tpu.memory_space<vmem_shared>> -> memref<10112x128xf32, #tpu.memory_space<vmem_shared>>
          tpu.wait_indirect_dma semaphore(%run_scoped3A_144 : memref<!tpu.dma_semaphore, #tpu.memory_space<semaphore_mem>>) src(%dma_wait3A_156 : memref<128x128xf32, #tpu.memory_space<vmem>>) dst(%dma_wait3A_162 : memref<10112x128xf32, #tpu.memory_space<vmem_shared>>)
          tpu.yield
        }) : () -> ()
      } else {
      }
      %add3A_101 = arith.constant 3 : i32
      %add3A_102 = arith.addi %add3A_84, %add3A_101 : i32
      %mul3A_103 = arith.constant 32 : i32
      %mul3A_104 = arith.muli %add3A_102, %mul3A_103 : i32
      %add3A_105 = arith.addi %mul3A_104, %add3A : i32
      %lt3A_106 = arith.constant 2500 : i32
      %lt3A_107 = arith.cmpi slt, %add3A_105, %lt3A_106 : i32
      %convert_element_type3A_108 = arith.extui %lt3A_107 : i1 to i32
      %cond3A_109 = arith.constant 0 : i32
      %cond3A_110 = arith.cmpi ne, %convert_element_type3A_108, %cond3A_109 : i32
      scf.if %cond3A_110 {
        %mul3A_142 = arith.constant 128 : i32
        %mul3A_143 = arith.muli %add3A_105, %mul3A_142 : i32
        %dma_start3A = arith.constant 1 : i32
        %dma_start3A_144 = arith.constant 0 : i32
        %dma_start3A_145 = arith.constant 0 : i32
        %dma_start3A_146 = tpu.memref_slice %arg7[%dma_start3A, %dma_start3A_144, %dma_start3A_145] : memref<3x128x128xf32, #tpu.memory_space<vmem>> -> memref<1x128x128xf32, #tpu.memory_space<vmem>>
        %dma_start3A_147 = tpu.memref_squeeze %dma_start3A_146 : memref<1x128x128xf32, #tpu.memory_space<vmem>> -> memref<128x128xf32, #tpu.memory_space<vmem>>
        %dma_start3A_148 = arith.constant 0 : i32
        %dma_start3A_149 = tpu.memref_slice %arg2[%mul3A_143, %dma_start3A_148] : memref<320000x128xf32, #tpu.memory_space<hbm>> -> memref<128x128xf32, #tpu.memory_space<hbm>>
        %dma_start3A_150 = arith.constant 0 : i32
        %dma_start3A_151 = arith.constant 0 : i32
        %dma_start3A_152 = tpu.memref_slice %arg7[%dma_start3A, %dma_start3A_150, %dma_start3A_151] : memref<3x128x128xf32, #tpu.memory_space<vmem>> -> memref<1x128x128xf32, #tpu.memory_space<vmem>>
        %dma_start3A_153 = tpu.memref_squeeze %dma_start3A_152 : memref<1x128x128xf32, #tpu.memory_space<vmem>> -> memref<128x128xf32, #tpu.memory_space<vmem>>
        %dma_start3A_154 = arith.constant 0 : i32
        %dma_start3A_155 = tpu.memref_slice %arg2[%mul3A_143, %dma_start3A_154] : memref<320000x128xf32, #tpu.memory_space<hbm>> -> memref<128x128xf32, #tpu.memory_space<hbm>>
        tpu.enqueue_dma source(%dma_start3A_155 : memref<128x128xf32, #tpu.memory_space<hbm>>) target(%dma_start3A_153 : memref<128x128xf32, #tpu.memory_space<vmem>>) target_semaphore(%arg9 : memref<!tpu.dma_semaphore, #tpu.memory_space<semaphore_mem>>)
        %mul3A_156 = arith.constant 128 : i32
        %mul3A_157 = arith.muli %add3A_105, %mul3A_156 : i32
        %dma_start3A_158 = arith.constant 1 : i32
        %dma_start3A_159 = arith.constant 0 : i32
        %dma_start3A_160 = tpu.memref_slice %arg6[%dma_start3A_158, %dma_start3A_159] : memref<3x128xi32, #tpu.memory_space<vmem>> -> memref<1x128xi32, #tpu.memory_space<vmem>>
        %dma_start3A_161 = tpu.memref_squeeze %dma_start3A_160 : memref<1x128xi32, #tpu.memory_space<vmem>> -> memref<128xi32, #tpu.memory_space<vmem>>
        %dma_start3A_162 = tpu.memref_slice %arg3[%mul3A_157] : memref<320000xi32, #tpu.memory_space<hbm>> -> memref<128xi32, #tpu.memory_space<hbm>>
        %dma_start3A_163 = arith.constant 0 : i32
        %dma_start3A_164 = tpu.memref_slice %arg6[%dma_start3A_158, %dma_start3A_163] : memref<3x128xi32, #tpu.memory_space<vmem>> -> memref<1x128xi32, #tpu.memory_space<vmem>>
        %dma_start3A_165 = tpu.memref_squeeze %dma_start3A_164 : memref<1x128xi32, #tpu.memory_space<vmem>> -> memref<128xi32, #tpu.memory_space<vmem>>
        %dma_start3A_166 = tpu.memref_slice %arg3[%mul3A_157] : memref<320000xi32, #tpu.memory_space<hbm>> -> memref<128xi32, #tpu.memory_space<hbm>>
        tpu.enqueue_dma source(%dma_start3A_166 : memref<128xi32, #tpu.memory_space<hbm>>) target(%dma_start3A_165 : memref<128xi32, #tpu.memory_space<vmem>>) target_semaphore(%arg9 : memref<!tpu.dma_semaphore, #tpu.memory_space<semaphore_mem>>)
      } else {
      }
      %mul3A_111 = arith.constant 3 : i32
      %mul3A_112 = arith.muli %scan3A_49, %mul3A_111 : i32
      %add3A_113 = arith.constant 2 : i32
      %add3A_114 = arith.addi %mul3A_112, %add3A_113 : i32
      %mul3A_115 = arith.constant 32 : i32
      %mul3A_116 = arith.muli %add3A_114, %mul3A_115 : i32
      %add3A_117 = arith.addi %mul3A_116, %add3A : i32
      %mul3A_118 = arith.constant 32 : i32
      %mul3A_119 = arith.muli %add3A_114, %mul3A_118 : i32
      %add3A_120 = arith.addi %mul3A_119, %add3A : i32
      %lt3A_121 = arith.constant 2500 : i32
      %lt3A_122 = arith.cmpi slt, %add3A_120, %lt3A_121 : i32
      %convert_element_type3A_123 = arith.extui %lt3A_122 : i1 to i32
      %cond3A_124 = arith.constant 0 : i32
      %cond3A_125 = arith.cmpi ne, %convert_element_type3A_123, %cond3A_124 : i32
      scf.if %cond3A_125 {
        %mul3A_142 = arith.constant 128 : i32
        %mul3A_143 = arith.muli %add3A_120, %mul3A_142 : i32
        %dma_wait3A = arith.constant 2 : i32
        %dma_wait3A_144 = arith.constant 0 : i32
        %dma_wait3A_145 = arith.constant 0 : i32
        %dma_wait3A_146 = tpu.memref_slice %arg7[%dma_wait3A, %dma_wait3A_144, %dma_wait3A_145] : memref<3x128x128xf32, #tpu.memory_space<vmem>> -> memref<1x128x128xf32, #tpu.memory_space<vmem>>
        %dma_wait3A_147 = tpu.memref_squeeze %dma_wait3A_146 : memref<1x128x128xf32, #tpu.memory_space<vmem>> -> memref<128x128xf32, #tpu.memory_space<vmem>>
        %dma_wait3A_148 = arith.constant 0 : i32
        %dma_wait3A_149 = tpu.memref_slice %arg2[%mul3A_143, %dma_wait3A_148] : memref<320000x128xf32, #tpu.memory_space<hbm>> -> memref<128x128xf32, #tpu.memory_space<hbm>>
        %dma_wait3A_150 = arith.constant 0 : i32
        %dma_wait3A_151 = arith.constant 0 : i32
        %dma_wait3A_152 = tpu.memref_slice %arg7[%dma_wait3A, %dma_wait3A_150, %dma_wait3A_151] : memref<3x128x128xf32, #tpu.memory_space<vmem>> -> memref<1x128x128xf32, #tpu.memory_space<vmem>>
        %dma_wait3A_153 = tpu.memref_squeeze %dma_wait3A_152 : memref<1x128x128xf32, #tpu.memory_space<vmem>> -> memref<128x128xf32, #tpu.memory_space<vmem>>
        %dma_wait3A_154 = arith.constant 0 : i32
        %dma_wait3A_155 = tpu.memref_slice %arg2[%mul3A_143, %dma_wait3A_154] : memref<320000x128xf32, #tpu.memory_space<hbm>> -> memref<128x128xf32, #tpu.memory_space<hbm>>
        tpu.wait_dma2 semaphore(%arg10 : memref<!tpu.dma_semaphore, #tpu.memory_space<semaphore_mem>>) src(%dma_wait3A_155 : memref<128x128xf32, #tpu.memory_space<hbm>>) dst(%dma_wait3A_153 : memref<128x128xf32, #tpu.memory_space<vmem>>)
        %mul3A_156 = arith.constant 128 : i32
        %mul3A_157 = arith.muli %add3A_120, %mul3A_156 : i32
        %dma_wait3A_158 = arith.constant 2 : i32
        %dma_wait3A_159 = arith.constant 0 : i32
        %dma_wait3A_160 = tpu.memref_slice %arg6[%dma_wait3A_158, %dma_wait3A_159] : memref<3x128xi32, #tpu.memory_space<vmem>> -> memref<1x128xi32, #tpu.memory_space<vmem>>
        %dma_wait3A_161 = tpu.memref_squeeze %dma_wait3A_160 : memref<1x128xi32, #tpu.memory_space<vmem>> -> memref<128xi32, #tpu.memory_space<vmem>>
        %dma_wait3A_162 = tpu.memref_slice %arg3[%mul3A_157] : memref<320000xi32, #tpu.memory_space<hbm>> -> memref<128xi32, #tpu.memory_space<hbm>>
        %dma_wait3A_163 = arith.constant 0 : i32
        %dma_wait3A_164 = tpu.memref_slice %arg6[%dma_wait3A_158, %dma_wait3A_163] : memref<3x128xi32, #tpu.memory_space<vmem>> -> memref<1x128xi32, #tpu.memory_space<vmem>>
        %dma_wait3A_165 = tpu.memref_squeeze %dma_wait3A_164 : memref<1x128xi32, #tpu.memory_space<vmem>> -> memref<128xi32, #tpu.memory_space<vmem>>
        %dma_wait3A_166 = tpu.memref_slice %arg3[%mul3A_157] : memref<320000xi32, #tpu.memory_space<hbm>> -> memref<128xi32, #tpu.memory_space<hbm>>
        tpu.wait_dma2 semaphore(%arg10 : memref<!tpu.dma_semaphore, #tpu.memory_space<semaphore_mem>>) src(%dma_wait3A_166 : memref<128xi32, #tpu.memory_space<hbm>>) dst(%dma_wait3A_165 : memref<128xi32, #tpu.memory_space<vmem>>)
      } else {
      }
      %lt3A_126 = arith.constant 2500 : i32
      %lt3A_127 = arith.cmpi slt, %add3A_117, %lt3A_126 : i32
      %convert_element_type3A_128 = arith.extui %lt3A_127 : i1 to i32
      %cond3A_129 = arith.constant 0 : i32
      %cond3A_130 = arith.cmpi ne, %convert_element_type3A_128, %cond3A_129 : i32
      scf.if %cond3A_130 {
        %run_scoped3A_142 = arith.constant 2 : i32
        %run_scoped3A_143 = arith.constant 2 : i32
        "tpu.region"() ({
          %run_scoped3A_144 = tpu.sem_alloc : memref<!tpu.dma_semaphore, #tpu.memory_space<semaphore_mem>>
          %dma_start3A = arith.constant 0 : i32
          %dma_start3A_145 = arith.constant 0 : i32
          %dma_start3A_146 = tpu.memref_slice %arg7[%run_scoped3A_142, %dma_start3A, %dma_start3A_145] : memref<3x128x128xf32, #tpu.memory_space<vmem>> -> memref<1x128x128xf32, #tpu.memory_space<vmem>>
          %dma_start3A_147 = tpu.memref_squeeze %dma_start3A_146 : memref<1x128x128xf32, #tpu.memory_space<vmem>> -> memref<128x128xf32, #tpu.memory_space<vmem>>
          %dma_start3A_148 = arith.constant 0 : i32
          %dma_start3A_149 = tpu.memref_slice %arg6[%run_scoped3A_143, %dma_start3A_148] : memref<3x128xi32, #tpu.memory_space<vmem>> -> memref<1x128xi32, #tpu.memory_space<vmem>>
          %dma_start3A_150 = tpu.memref_squeeze %dma_start3A_149 : memref<1x128xi32, #tpu.memory_space<vmem>> -> memref<128xi32, #tpu.memory_space<vmem>>
          %dma_start3A_151 = arith.constant 0 : i32
          %dma_start3A_152 = arith.constant 0 : i32
          %dma_start3A_153 = tpu.memref_slice %arg5[%dma_start3A_151, %dma_start3A_152] : memref<10112x128xf32, #tpu.memory_space<vmem_shared>> -> memref<10112x128xf32, #tpu.memory_space<vmem_shared>>
          tpu.enqueue_indirect_dma source(%dma_start3A_147 : memref<128x128xf32, #tpu.memory_space<vmem>>) target(%dma_start3A_153 : memref<10112x128xf32, #tpu.memory_space<vmem_shared>>) offsets(%dma_start3A_150 : memref<128xi32, #tpu.memory_space<vmem>>) semaphore(%run_scoped3A_144 : memref<!tpu.dma_semaphore, #tpu.memory_space<semaphore_mem>>) {add = true}
          %dma_wait3A = arith.constant 0 : i32
          %dma_wait3A_154 = arith.constant 0 : i32
          %dma_wait3A_155 = tpu.memref_slice %arg7[%run_scoped3A_142, %dma_wait3A, %dma_wait3A_154] : memref<3x128x128xf32, #tpu.memory_space<vmem>> -> memref<1x128x128xf32, #tpu.memory_space<vmem>>
          %dma_wait3A_156 = tpu.memref_squeeze %dma_wait3A_155 : memref<1x128x128xf32, #tpu.memory_space<vmem>> -> memref<128x128xf32, #tpu.memory_space<vmem>>
          %dma_wait3A_157 = arith.constant 0 : i32
          %dma_wait3A_158 = tpu.memref_slice %arg6[%run_scoped3A_143, %dma_wait3A_157] : memref<3x128xi32, #tpu.memory_space<vmem>> -> memref<1x128xi32, #tpu.memory_space<vmem>>
          %dma_wait3A_159 = tpu.memref_squeeze %dma_wait3A_158 : memref<1x128xi32, #tpu.memory_space<vmem>> -> memref<128xi32, #tpu.memory_space<vmem>>
          %dma_wait3A_160 = arith.constant 0 : i32
          %dma_wait3A_161 = arith.constant 0 : i32
          %dma_wait3A_162 = tpu.memref_slice %arg5[%dma_wait3A_160, %dma_wait3A_161] : memref<10112x128xf32, #tpu.memory_space<vmem_shared>> -> memref<10112x128xf32, #tpu.memory_space<vmem_shared>>
          tpu.wait_indirect_dma semaphore(%run_scoped3A_144 : memref<!tpu.dma_semaphore, #tpu.memory_space<semaphore_mem>>) src(%dma_wait3A_156 : memref<128x128xf32, #tpu.memory_space<vmem>>) dst(%dma_wait3A_162 : memref<10112x128xf32, #tpu.memory_space<vmem_shared>>)
          tpu.yield
        }) : () -> ()
      } else {
      }
      %add3A_131 = arith.constant 3 : i32
      %add3A_132 = arith.addi %add3A_114, %add3A_131 : i32
      %mul3A_133 = arith.constant 32 : i32
      %mul3A_134 = arith.muli %add3A_132, %mul3A_133 : i32
      %add3A_135 = arith.addi %mul3A_134, %add3A : i32
      %lt3A_136 = arith.constant 2500 : i32
      %lt3A_137 = arith.cmpi slt, %add3A_135, %lt3A_136 : i32
      %convert_element_type3A_138 = arith.extui %lt3A_137 : i1 to i32
      %cond3A_139 = arith.constant 0 : i32
      %cond3A_140 = arith.cmpi ne, %convert_element_type3A_138, %cond3A_139 : i32
      scf.if %cond3A_140 {
        %mul3A_142 = arith.constant 128 : i32
        %mul3A_143 = arith.muli %add3A_135, %mul3A_142 : i32
        %dma_start3A = arith.constant 2 : i32
        %dma_start3A_144 = arith.constant 0 : i32
        %dma_start3A_145 = arith.constant 0 : i32
        %dma_start3A_146 = tpu.memref_slice %arg7[%dma_start3A, %dma_start3A_144, %dma_start3A_145] : memref<3x128x128xf32, #tpu.memory_space<vmem>> -> memref<1x128x128xf32, #tpu.memory_space<vmem>>
        %dma_start3A_147 = tpu.memref_squeeze %dma_start3A_146 : memref<1x128x128xf32, #tpu.memory_space<vmem>> -> memref<128x128xf32, #tpu.memory_space<vmem>>
        %dma_start3A_148 = arith.constant 0 : i32
        %dma_start3A_149 = tpu.memref_slice %arg2[%mul3A_143, %dma_start3A_148] : memref<320000x128xf32, #tpu.memory_space<hbm>> -> memref<128x128xf32, #tpu.memory_space<hbm>>
        %dma_start3A_150 = arith.constant 0 : i32
        %dma_start3A_151 = arith.constant 0 : i32
        %dma_start3A_152 = tpu.memref_slice %arg7[%dma_start3A, %dma_start3A_150, %dma_start3A_151] : memref<3x128x128xf32, #tpu.memory_space<vmem>> -> memref<1x128x128xf32, #tpu.memory_space<vmem>>
        %dma_start3A_153 = tpu.memref_squeeze %dma_start3A_152 : memref<1x128x128xf32, #tpu.memory_space<vmem>> -> memref<128x128xf32, #tpu.memory_space<vmem>>
        %dma_start3A_154 = arith.constant 0 : i32
        %dma_start3A_155 = tpu.memref_slice %arg2[%mul3A_143, %dma_start3A_154] : memref<320000x128xf32, #tpu.memory_space<hbm>> -> memref<128x128xf32, #tpu.memory_space<hbm>>
        tpu.enqueue_dma source(%dma_start3A_155 : memref<128x128xf32, #tpu.memory_space<hbm>>) target(%dma_start3A_153 : memref<128x128xf32, #tpu.memory_space<vmem>>) target_semaphore(%arg10 : memref<!tpu.dma_semaphore, #tpu.memory_space<semaphore_mem>>)
        %mul3A_156 = arith.constant 128 : i32
        %mul3A_157 = arith.muli %add3A_135, %mul3A_156 : i32
        %dma_start3A_158 = arith.constant 2 : i32
        %dma_start3A_159 = arith.constant 0 : i32
        %dma_start3A_160 = tpu.memref_slice %arg6[%dma_start3A_158, %dma_start3A_159] : memref<3x128xi32, #tpu.memory_space<vmem>> -> memref<1x128xi32, #tpu.memory_space<vmem>>
        %dma_start3A_161 = tpu.memref_squeeze %dma_start3A_160 : memref<1x128xi32, #tpu.memory_space<vmem>> -> memref<128xi32, #tpu.memory_space<vmem>>
        %dma_start3A_162 = tpu.memref_slice %arg3[%mul3A_157] : memref<320000xi32, #tpu.memory_space<hbm>> -> memref<128xi32, #tpu.memory_space<hbm>>
        %dma_start3A_163 = arith.constant 0 : i32
        %dma_start3A_164 = tpu.memref_slice %arg6[%dma_start3A_158, %dma_start3A_163] : memref<3x128xi32, #tpu.memory_space<vmem>> -> memref<1x128xi32, #tpu.memory_space<vmem>>
        %dma_start3A_165 = tpu.memref_squeeze %dma_start3A_164 : memref<1x128xi32, #tpu.memory_space<vmem>> -> memref<128xi32, #tpu.memory_space<vmem>>
        %dma_start3A_166 = tpu.memref_slice %arg3[%mul3A_157] : memref<320000xi32, #tpu.memory_space<hbm>> -> memref<128xi32, #tpu.memory_space<hbm>>
        tpu.enqueue_dma source(%dma_start3A_166 : memref<128xi32, #tpu.memory_space<hbm>>) target(%dma_start3A_165 : memref<128xi32, #tpu.memory_space<vmem>>) target_semaphore(%arg10 : memref<!tpu.dma_semaphore, #tpu.memory_space<semaphore_mem>>)
      } else {
      }
      %scan3A_141 = arith.constant 0 : i32
      scf.yield %scan3A_141 : i32
    }
    %scan3A_47 = arith.constant 27 : i32
    %barrier3A_48 = arith.constant 0 : index
    tpu.barrier barrier_id(%barrier3A_48)
    "tpu.region"() ({
      %run_scoped3A_49 = tpu.sem_alloc : memref<!tpu.dma_semaphore, #tpu.memory_space<semaphore_mem>>
      %dma_start3A = arith.constant 0 : i32
      %dma_start3A_50 = tpu.memref_slice %arg4[%arg0, %mul3A_8, %dma_start3A] : memref<2x10112x128xf32, #tpu.memory_space<hbm>> -> memref<1x632x128xf32, #tpu.memory_space<hbm>>
      %dma_start3A_51 = tpu.memref_squeeze %dma_start3A_50 : memref<1x632x128xf32, #tpu.memory_space<hbm>> -> memref<632x128xf32, #tpu.memory_space<hbm>>
      %dma_start3A_52 = arith.constant 0 : i32
      %dma_start3A_53 = tpu.memref_slice %arg5[%mul3A_8, %dma_start3A_52] : memref<10112x128xf32, #tpu.memory_space<vmem_shared>> -> memref<632x128xf32, #tpu.memory_space<vmem_shared>>
      tpu.enqueue_dma source(%dma_start3A_53 : memref<632x128xf32, #tpu.memory_space<vmem_shared>>) target(%dma_start3A_51 : memref<632x128xf32, #tpu.memory_space<hbm>>) target_semaphore(%run_scoped3A_49 : memref<!tpu.dma_semaphore, #tpu.memory_space<semaphore_mem>>)
      %dma_wait3A = arith.constant 0 : i32
      %dma_wait3A_54 = tpu.memref_slice %arg4[%arg0, %mul3A_8, %dma_wait3A] : memref<2x10112x128xf32, #tpu.memory_space<hbm>> -> memref<1x632x128xf32, #tpu.memory_space<hbm>>
      %dma_wait3A_55 = tpu.memref_squeeze %dma_wait3A_54 : memref<1x632x128xf32, #tpu.memory_space<hbm>> -> memref<632x128xf32, #tpu.memory_space<hbm>>
      %dma_wait3A_56 = arith.constant 0 : i32
      %dma_wait3A_57 = tpu.memref_slice %arg5[%mul3A_8, %dma_wait3A_56] : memref<10112x128xf32, #tpu.memory_space<vmem_shared>> -> memref<632x128xf32, #tpu.memory_space<vmem_shared>>
      tpu.wait_dma2 semaphore(%run_scoped3A_49 : memref<!tpu.dma_semaphore, #tpu.memory_space<semaphore_mem>>) src(%dma_wait3A_57 : memref<632x128xf32, #tpu.memory_space<vmem_shared>>) dst(%dma_wait3A_55 : memref<632x128xf32, #tpu.memory_space<hbm>>)
      tpu.yield
    }) : () -> ()
    return
  }
}

module attributes {stable_mosaic.version = 14 : i64} {
  func.func @_mlp_body(%arg0: i32, %arg1: memref<1000x128xf32, #tpu.memory_space<vmem>>, %arg2: memref<2x1000x128xf32, #tpu.memory_space<vmem>>, %arg3: memref<256x256xf32, #tpu.memory_space<vmem>>, %arg4: memref<1x256xf32, #tpu.memory_space<vmem>>, %arg5: memref<256x256xf32, #tpu.memory_space<vmem>>, %arg6: memref<1x256xf32, #tpu.memory_space<vmem>>, %arg7: memref<256x128xf32, #tpu.memory_space<vmem>>, %arg8: memref<1x128xf32, #tpu.memory_space<vmem>>, %arg9: memref<1x128xf32, #tpu.memory_space<vmem>>, %arg10: memref<1x128xf32, #tpu.memory_space<vmem>>, %arg11: memref<1000x128xf32, #tpu.memory_space<vmem>>) attributes {dimension_semantics = [#tpu.dimension_semantics<arbitrary>], iteration_bounds = array<i64: 10>, scalar_prefetch = 0 : i64, scratch_operands = 0 : i64, tpu.core_type = #tpu.core_type<tc>, window_params = [{transform_indices = @transform_0, window_bounds = array<i64: 1000, 128>}, {transform_indices = @transform_1, window_bounds = array<i64: 2, 1000, 128>}, {pipeline_mode = #tpu.pipeline_mode<synchronous>, transform_indices = @transform_2, window_bounds = array<i64: 256, 256>}, {pipeline_mode = #tpu.pipeline_mode<synchronous>, transform_indices = @transform_3, window_bounds = array<i64: 1, 256>}, {pipeline_mode = #tpu.pipeline_mode<synchronous>, transform_indices = @transform_4, window_bounds = array<i64: 256, 256>}, {pipeline_mode = #tpu.pipeline_mode<synchronous>, transform_indices = @transform_5, window_bounds = array<i64: 1, 256>}, {pipeline_mode = #tpu.pipeline_mode<synchronous>, transform_indices = @transform_6, window_bounds = array<i64: 256, 128>}, {pipeline_mode = #tpu.pipeline_mode<synchronous>, transform_indices = @transform_7, window_bounds = array<i64: 1, 128>}, {pipeline_mode = #tpu.pipeline_mode<synchronous>, transform_indices = @transform_8, window_bounds = array<i64: 1, 128>}, {pipeline_mode = #tpu.pipeline_mode<synchronous>, transform_indices = @transform_9, window_bounds = array<i64: 1, 128>}, {transform_indices = @transform_10, window_bounds = array<i64: 1000, 128>}]} {
    %get3A = arith.constant 0 : index
    %get3A_0 = arith.constant 0 : index
    %get3A_1 = vector.load %arg1[%get3A, %get3A_0] : memref<1000x128xf32, #tpu.memory_space<vmem>>, vector<1000x128xf32>
    %get3A_2 = arith.constant 0 : index
    %get3A_3 = arith.constant 0 : index
    %get3A_4 = arith.constant 0 : index
    %get3A_5 = vector.load %arg2[%get3A_2, %get3A_3, %get3A_4] : memref<2x1000x128xf32, #tpu.memory_space<vmem>>, vector<1x1000x128xf32>
    %get3A_6 = vector.shape_cast %get3A_5 : vector<1x1000x128xf32> to vector<1000x128xf32>
    %get3A_7 = arith.constant 1 : index
    %get3A_8 = arith.constant 0 : index
    %get3A_9 = arith.constant 0 : index
    %get3A_10 = vector.load %arg2[%get3A_7, %get3A_8, %get3A_9] : memref<2x1000x128xf32, #tpu.memory_space<vmem>>, vector<1x1000x128xf32>
    %get3A_11 = vector.shape_cast %get3A_10 : vector<1x1000x128xf32> to vector<1000x128xf32>
    %add3A = arith.addf %get3A_6, %get3A_11 : vector<1000x128xf32>
    %concatenate3A = tpu.concatenate %get3A_1, %add3A in 1 : vector<1000x128xf32>, vector<1000x128xf32> -> vector<1000x256xf32>
    %get3A_12 = arith.constant 0 : index
    %get3A_13 = arith.constant 0 : index
    %get3A_14 = vector.load %arg3[%get3A_12, %get3A_13] : memref<256x256xf32, #tpu.memory_space<vmem>>, vector<256x256xf32>
    %dot_general3A = arith.constant dense<0.000000e+00> : vector<1000x256xf32>
    %dot_general3A_15 = tpu.matmul %concatenate3A, %get3A_14, %dot_general3A {dimension_numbers = #tpu.dot_dimension_numbers<[1], [0], [0], [1], [0, 0, 1, 1], [], []>, transpose_lhs_hint = false} : vector<1000x256xf32>, vector<256x256xf32>, vector<1000x256xf32> -> vector<1000x256xf32>
    %get3A_16 = arith.constant 0 : index
    %get3A_17 = arith.constant 0 : index
    %get3A_18 = vector.load %arg4[%get3A_16, %get3A_17] : memref<1x256xf32, #tpu.memory_space<vmem>>, vector<1x256xf32>
    %add3A_19 = vector.broadcast %get3A_18 : vector<1x256xf32> to vector<1000x256xf32>
    %add3A_20 = arith.addf %dot_general3A_15, %add3A_19 : vector<1000x256xf32>
    %max3A = arith.constant 0.000000e+00 : f32
    %max3A_21 = vector.broadcast %max3A : f32 to vector<1000x256xf32>
    %max3A_22 = arith.maximumf %add3A_20, %max3A_21 : vector<1000x256xf32>
    %get3A_23 = arith.constant 0 : index
    %get3A_24 = arith.constant 0 : index
    %get3A_25 = vector.load %arg5[%get3A_23, %get3A_24] : memref<256x256xf32, #tpu.memory_space<vmem>>, vector<256x256xf32>
    %dot_general3A_26 = arith.constant dense<0.000000e+00> : vector<1000x256xf32>
    %dot_general3A_27 = tpu.matmul %max3A_22, %get3A_25, %dot_general3A_26 {dimension_numbers = #tpu.dot_dimension_numbers<[1], [0], [0], [1], [0, 0, 1, 1], [], []>, transpose_lhs_hint = false} : vector<1000x256xf32>, vector<256x256xf32>, vector<1000x256xf32> -> vector<1000x256xf32>
    %get3A_28 = arith.constant 0 : index
    %get3A_29 = arith.constant 0 : index
    %get3A_30 = vector.load %arg6[%get3A_28, %get3A_29] : memref<1x256xf32, #tpu.memory_space<vmem>>, vector<1x256xf32>
    %add3A_31 = vector.broadcast %get3A_30 : vector<1x256xf32> to vector<1000x256xf32>
    %add3A_32 = arith.addf %dot_general3A_27, %add3A_31 : vector<1000x256xf32>
    %max3A_33 = arith.constant 0.000000e+00 : f32
    %max3A_34 = vector.broadcast %max3A_33 : f32 to vector<1000x256xf32>
    %max3A_35 = arith.maximumf %add3A_32, %max3A_34 : vector<1000x256xf32>
    %get3A_36 = arith.constant 0 : index
    %get3A_37 = arith.constant 0 : index
    %get3A_38 = vector.load %arg7[%get3A_36, %get3A_37] : memref<256x128xf32, #tpu.memory_space<vmem>>, vector<256x128xf32>
    %dot_general3A_39 = arith.constant dense<0.000000e+00> : vector<1000x128xf32>
    %dot_general3A_40 = tpu.matmul %max3A_35, %get3A_38, %dot_general3A_39 {dimension_numbers = #tpu.dot_dimension_numbers<[1], [0], [0], [1], [0, 0, 1, 1], [], []>, transpose_lhs_hint = false} : vector<1000x256xf32>, vector<256x128xf32>, vector<1000x128xf32> -> vector<1000x128xf32>
    %get3A_41 = arith.constant 0 : index
    %get3A_42 = arith.constant 0 : index
    %get3A_43 = vector.load %arg8[%get3A_41, %get3A_42] : memref<1x128xf32, #tpu.memory_space<vmem>>, vector<1x128xf32>
    %add3A_44 = vector.broadcast %get3A_43 : vector<1x128xf32> to vector<1000x128xf32>
    %add3A_45 = arith.addf %dot_general3A_40, %add3A_44 : vector<1000x128xf32>
    %reduce_sum3A = arith.constant dense<0.000000e+00> : vector<1000xf32>
    %reduce_sum3A_46 = vector.multi_reduction <add>, %add3A_45, %reduce_sum3A [1] : vector<1000x128xf32> to vector<1000xf32>
    %broadcast_in_dim3A = vector.shape_cast %reduce_sum3A_46 : vector<1000xf32> to vector<1000x1xf32>
    %div3A = arith.constant 1.280000e+02 : f32
    %div3A_47 = vector.broadcast %div3A : f32 to vector<1000x1xf32>
    %div3A_48 = arith.divf %broadcast_in_dim3A, %div3A_47 : vector<1000x1xf32>
    %sub3A = vector.broadcast %div3A_48 : vector<1000x1xf32> to vector<1000x128xf32>
    %sub3A_49 = arith.subf %add3A_45, %sub3A : vector<1000x128xf32>
    %integer_pow3A = arith.mulf %sub3A_49, %sub3A_49 : vector<1000x128xf32>
    %reduce_sum3A_50 = arith.constant dense<0.000000e+00> : vector<1000xf32>
    %reduce_sum3A_51 = vector.multi_reduction <add>, %integer_pow3A, %reduce_sum3A_50 [1] : vector<1000x128xf32> to vector<1000xf32>
    %broadcast_in_dim3A_52 = vector.shape_cast %reduce_sum3A_51 : vector<1000xf32> to vector<1000x1xf32>
    %div3A_53 = arith.constant 1.280000e+02 : f32
    %div3A_54 = vector.broadcast %div3A_53 : f32 to vector<1000x1xf32>
    %div3A_55 = arith.divf %broadcast_in_dim3A_52, %div3A_54 : vector<1000x1xf32>
    %sub3A_56 = vector.broadcast %div3A_48 : vector<1000x1xf32> to vector<1000x128xf32>
    %sub3A_57 = arith.subf %add3A_45, %sub3A_56 : vector<1000x128xf32>
    %add3A_58 = arith.constant 9.99999974E-6 : f32
    %add3A_59 = vector.broadcast %add3A_58 : f32 to vector<1000x1xf32>
    %add3A_60 = arith.addf %div3A_55, %add3A_59 : vector<1000x1xf32>
    %rsqrt3A = math.rsqrt %add3A_60 : vector<1000x1xf32>
    %mul3A = vector.broadcast %rsqrt3A : vector<1000x1xf32> to vector<1000x128xf32>
    %mul3A_61 = arith.mulf %sub3A_57, %mul3A : vector<1000x128xf32>
    %get3A_62 = arith.constant 0 : index
    %get3A_63 = arith.constant 0 : index
    %get3A_64 = vector.load %arg9[%get3A_62, %get3A_63] : memref<1x128xf32, #tpu.memory_space<vmem>>, vector<1x128xf32>
    %mul3A_65 = vector.broadcast %get3A_64 : vector<1x128xf32> to vector<1000x128xf32>
    %mul3A_66 = arith.mulf %mul3A_61, %mul3A_65 : vector<1000x128xf32>
    %get3A_67 = arith.constant 0 : index
    %get3A_68 = arith.constant 0 : index
    %get3A_69 = vector.load %arg10[%get3A_67, %get3A_68] : memref<1x128xf32, #tpu.memory_space<vmem>>, vector<1x128xf32>
    %add3A_70 = vector.broadcast %get3A_69 : vector<1x128xf32> to vector<1000x128xf32>
    %add3A_71 = arith.addf %mul3A_66, %add3A_70 : vector<1000x128xf32>
    %add3A_72 = arith.addf %add3A_71, %get3A_1 : vector<1000x128xf32>
    %swap3A = arith.constant 0 : index
    %swap3A_73 = arith.constant 0 : index
    %swap3A_74 = vector.load %arg11[%swap3A, %swap3A_73] : memref<1000x128xf32, #tpu.memory_space<vmem>>, vector<1000x128xf32>
    tpu.vector_store %arg11[%swap3A, %swap3A_73], %add3A_72 {strides = array<i32>} : memref<1000x128xf32, #tpu.memory_space<vmem>>, vector<1000x128xf32>,
    return
  }
  func.func @transform_0(%arg0: i32) -> (i32, i32) {
    %c0_i32 = arith.constant 0 : i32
    %c0_i32_0 = arith.constant 0 : i32
    return %arg0, %c0_i32 : i32, i32
  }
  func.func @transform_1(%arg0: i32) -> (i32, i32, i32) {
    %c0_i32 = arith.constant 0 : i32
    %c0_i32_0 = arith.constant 0 : i32
    %c0_i32_1 = arith.constant 0 : i32
    return %c0_i32, %arg0, %c0_i32_0 : i32, i32, i32
  }
  func.func @transform_2(%arg0: i32) -> (i32, i32) {
    %c0_i32 = arith.constant 0 : i32
    %c0_i32_0 = arith.constant 0 : i32
    %c0_i32_1 = arith.constant 0 : i32
    return %c0_i32, %c0_i32_0 : i32, i32
  }
  func.func @transform_3(%arg0: i32) -> (i32, i32) {
    %c0_i32 = arith.constant 0 : i32
    %c0_i32_0 = arith.constant 0 : i32
    %c0_i32_1 = arith.constant 0 : i32
    return %c0_i32, %c0_i32_0 : i32, i32
  }
  func.func @transform_4(%arg0: i32) -> (i32, i32) {
    %c0_i32 = arith.constant 0 : i32
    %c0_i32_0 = arith.constant 0 : i32
    %c0_i32_1 = arith.constant 0 : i32
    return %c0_i32, %c0_i32_0 : i32, i32
  }
  func.func @transform_5(%arg0: i32) -> (i32, i32) {
    %c0_i32 = arith.constant 0 : i32
    %c0_i32_0 = arith.constant 0 : i32
    %c0_i32_1 = arith.constant 0 : i32
    return %c0_i32, %c0_i32_0 : i32, i32
  }
  func.func @transform_6(%arg0: i32) -> (i32, i32) {
    %c0_i32 = arith.constant 0 : i32
    %c0_i32_0 = arith.constant 0 : i32
    %c0_i32_1 = arith.constant 0 : i32
    return %c0_i32, %c0_i32_0 : i32, i32
  }
  func.func @transform_7(%arg0: i32) -> (i32, i32) {
    %c0_i32 = arith.constant 0 : i32
    %c0_i32_0 = arith.constant 0 : i32
    %c0_i32_1 = arith.constant 0 : i32
    return %c0_i32, %c0_i32_0 : i32, i32
  }
  func.func @transform_8(%arg0: i32) -> (i32, i32) {
    %c0_i32 = arith.constant 0 : i32
    %c0_i32_0 = arith.constant 0 : i32
    %c0_i32_1 = arith.constant 0 : i32
    return %c0_i32, %c0_i32_0 : i32, i32
  }
  func.func @transform_9(%arg0: i32) -> (i32, i32) {
    %c0_i32 = arith.constant 0 : i32
    %c0_i32_0 = arith.constant 0 : i32
    %c0_i32_1 = arith.constant 0 : i32
    return %c0_i32, %c0_i32_0 : i32, i32
  }
  func.func @transform_10(%arg0: i32) -> (i32, i32) {
    %c0_i32 = arith.constant 0 : i32
    %c0_i32_0 = arith.constant 0 : i32
    return %arg0, %c0_i32 : i32, i32
  }
}

</mosaic_0001>

<sc_bundles>
// kernel: kernel.4.cloned.1.call-start
scs
__scs_entry_jumppad:
0x0: {  	(pc) =	sbr.rel $0x88, $3  }
0x1: {  	(tag) =	ssettag $0x0;
	lr =	simm.s32 $0x1  }
0x2: {  	[smem:$0x3F96] =	sst lr;
	_ =	strace $0xD0000000  }
0x3: {  	_ = 	snop  }
0x4: {  	_ = 	snop  }
0x5: {  	_ = 	snop  }
0x6: {  	_ = 	snop  }
0x7: {  	_ = 	snop  }
__scs_overlays_trampoline_lowered:
0x8: {  	[smem:$0x3FA5] =	sst s0  }
0x9: {  	[smem:$0x3FA6] =	sst s1  }
0xa: {  	[smem:$0x3FA7] =	sst s2  }
0xb: {  	[smem:$0x3FA8] =	sst s3  }
0xc: {  	[smem:$0x3FA9] =	sst s4  }
0xd: {  	[smem:$0x3FAA] =	sst s5  }
0xe: {  	[smem:$0x3FAB] =	sst s6  }
0xf: {  	[smem:$0x3FAC] =	sst s7  }
0x10: {  	[smem:$0x3FAD] =	sst s8  }
0x11: {  	[smem:$0x3FAE] =	sst s9;
	s0 =	simm.s32 @!p0 $0x0  }
0x12: {  	s1 =	sld [smem:$0x3F94];
	s0 =	simm.s32 @p0 $0x1  }
0x13: {  	[smem:$0x3FAF] =	sst s0;
	s0 =	simm.s32 @!p1 $0x0  }
0x14: {  	s2 =	sld [smem:$0x3F93];
	s0 =	simm.s32 @p1 $0x1  }
0x15: {  	[smem:$0x3FB0] =	sst s0;
	s0 =	simm.s32 @!p2 $0x0  }
0x16: {  	s3 =	sld [smem:$0x3FDB];
	s0 =	simm.s32 @p2 $0x1  }
0x17: {  	s4 =	simm.s32 $0x1BF5;
	[smem:$0x3FB2] =	sst s0  }
0x18: {  	s0 =	sld [smem:$0x3F95];
	_ =	swait.ge [sflag:s4], $0x0  }
0x19: {  	s7 =	sld [smem:$0x3F96]  }
0x1a: {  	s8 =	sadd.s32 $0xFFFFE003, lr  }
0x1b: {  	s9 =	sadd.s32 $0xFFFFFEF7, lr;
	s5 =	simm.s32 $0xFFFFFFFF;
	p2 =	slt.u32 s8, $0xFFFFF086  }
0x1c: {  	p1 =	slt.u32 s9, $0xF7A;
	s5 =	simm.s32 @!p2 $0x0  }
0x1d: {  	s5 =	simm.s32 @p1 $0x1;
	p0 =	seq.s32 s7, s2  }
0x1e: {  	s7 =	smul.u32 @!p0 $0xF7A, s2;
	p2 =	seq.s32 @!p0 s5, $0x0  }
0x1f: {  	s9 =	smul.u32 $0xF7A, s1;
	s8 =	simm.s32 @!p0 $0x1BF5;
	p2 =	por !p2, p0  }
0x20: {  	[sflag:s8] =	ssyncset.s32 @!p0 $0xFFFFF086;
	s6 =	sadd.s32 @!p0 s3, s7;
	s7 =	simm.s32 @!p0 $0x108  }
0x21: {  	s3 =	sadd.s32 s3, s9;
	s6 =	sadd.s32 @!p0 $0x88, s6;
	s7 =	simm.s32 @p2 $0x1082  }
0x22: {  	[simem:s7], [sflag:s8] =	dma.local @!p0 [hbm:s6], $0xF7A  }
0x23: {  	s9 =	sor.u32 $0xD0000000, s2;
	s6 =	simm.s32 $0x108;
	_ =	swait.ge @!p0 [sflag:s8], $0x0  }
0x24: {  	s3 =	sadd.s32 $0x88, s3;
	s6 =	simm.s32 @!p1 $0x1082;
	[sflag:s4] =	ssyncset.s32 $0xFFFFF086  }
0x25: {  	[simem:s6], [sflag:s4] =	dma.local [hbm:s3], $0xF7A  }
0x26: {  	[smem:$0x3F96] =	sst s1;
	(tag) =	ssettag s2;
	_ =	strace s9  }
0x27: {  	s1 =	sld [smem:$0x3FA6]  }
0x28: {  	s2 =	sld [smem:$0x3FA7]  }
0x29: {  	s4 =	sld [smem:$0x3FA9]  }
0x2a: {  	p0 =	seq.s32 s5, $0x0;
	s5 =	sld [smem:$0x3FAA]  }
0x2b: {  	s6 =	sld [smem:$0x3FAB]  }
0x2c: {  	s7 =	sld [smem:$0x3FAC]  }
0x2d: {  	s3 =	simm.s32 $0x108;
	s8 =	sld [smem:$0x3FAD]  }
0x2e: {  	s3 =	simm.s32 @!p0 $0x1082;
	s9 =	sld [smem:$0x3FAE]  }
0x2f: {  	lr =	sadd.s32 s0, s3;
	s0 =	sld [smem:$0x3FA5]  }
0x30: {  	s3 =	sld [smem:$0x3FA8]  }
0x31: {  	[smem:$0x3FB1] =	sst s10  }
0x32: {  	s10 =	sld [smem:$0x3FAF];
	_ =	sdelay $0x3  }
0x33: {  	p0 =	seq.s32 s10, $0x1;
	s10 =	sld [smem:$0x3FB1];
	_ =	sdelay $0x3  }
0x34: {  	[smem:$0x3FB1] =	sst s10  }
0x35: {  	s10 =	sld [smem:$0x3FB0];
	_ =	sdelay $0x3  }
0x36: {  	p1 =	seq.s32 s10, $0x1;
	s10 =	sld [smem:$0x3FB1];
	_ =	sdelay $0x3  }
0x37: {  	[smem:$0x3FB1] =	sst s10  }
0x38: {  	s10 =	sld [smem:$0x3FB2]  }
0x39: {  	_ = 	snop;
	(pc) =	sbr.ind lr, $3  }
0x3a: {  	_ = 	snop  }
0x3b: {  	_ = 	snop  }
0x3c: {  	p2 =	seq.s32 s10, $0x1;
	s10 =	sld [smem:$0x3FB1]  }
0x3d: {  	_ =	shalt  }
0x3e: {  	_ =	shalt  }
0x3f: {  	_ =	shalt  }
0x40: {  	_ =	shalt  }
0x41: {  	_ =	shalt  }
0x42: {  	_ =	shalt  }
0x43: {  	_ =	shalt  }
0x44: {  	_ =	shalt  }
0x45: {  	_ =	shalt  }
0x46: {  	_ =	shalt  }
0x47: {  	_ =	shalt  }
0x48: {  	_ =	shalt  }
0x49: {  	_ =	shalt  }
0x4a: {  	_ =	shalt  }
0x4b: {  	_ =	shalt  }
0x4c: {  	_ =	shalt  }
0x4d: {  	_ =	shalt  }
0x4e: {  	_ =	shalt  }
0x4f: {  	_ =	shalt  }
0x50: {  	_ =	shalt  }
0x51: {  	_ =	shalt  }
0x52: {  	_ =	shalt  }
0x53: {  	_ =	shalt  }
0x54: {  	_ =	shalt  }
0x55: {  	_ =	shalt  }
0x56: {  	_ =	shalt  }
0x57: {  	_ =	shalt  }
0x58: {  	_ =	shalt  }
0x59: {  	_ =	shalt  }
0x5a: {  	_ =	shalt  }
0x5b: {  	_ =	shalt  }
0x5c: {  	_ =	shalt  }
0x5d: {  	_ =	shalt  }
0x5e: {  	_ =	shalt  }
0x5f: {  	_ =	shalt  }
0x60: {  	_ =	shalt  }
0x61: {  	_ =	shalt  }
0x62: {  	_ =	shalt  }
0x63: {  	_ =	shalt  }
0x64: {  	_ =	shalt  }
0x65: {  	_ =	shalt  }
0x66: {  	_ =	shalt  }
0x67: {  	_ =	shalt  }
0x68: {  	_ =	shalt  }
0x69: {  	_ =	shalt  }
0x6a: {  	_ =	shalt  }
0x6b: {  	_ =	shalt  }
0x6c: {  	_ =	shalt  }
0x6d: {  	_ =	shalt  }
0x6e: {  	_ =	shalt  }
0x6f: {  	_ =	shalt  }
0x70: {  	_ =	shalt  }
0x71: {  	_ =	shalt  }
0x72: {  	_ =	shalt  }
0x73: {  	_ =	shalt  }
0x74: {  	_ =	shalt  }
0x75: {  	_ =	shalt  }
0x76: {  	_ =	shalt  }
0x77: {  	_ =	shalt  }
0x78: {  	_ =	shalt  }
0x79: {  	_ =	shalt  }
0x7a: {  	_ =	shalt  }
0x7b: {  	_ =	shalt  }
0x7c: {  	_ =	shalt  }
0x7d: {  	_ =	shalt  }
0x7e: {  	_ =	shalt  }
0x7f: {  	_ =	shalt  }
0x80: {  	_ =	shalt  }
0x81: {  	_ =	shalt  }
0x82: {  	_ =	shalt  }
0x83: {  	_ =	shalt  }
0x84: {  	_ =	shalt  }
0x85: {  	_ =	shalt  }
0x86: {  	_ =	shalt  }
0x87: {  	_ =	shalt  }
.Lfunc_end0:
.L_simem_size_0:
called_computation_lowered:
.L_overlay_start_0:
0x88: {  	s2 =	sld [smem:$0x3FD9]  }
0x89: {  	s3 =	sld [smem:$0x3FFE];
	_ =	sdelay $0x1  }
0x8a: {  	s1 =	srdreg.scid  }
0x8b: {  	s0 =	sand.u32 $0x1, s1  }
0x8c: {  	s17 =	sshll.u32 s0, $0xA;
	s2 =	sadd.s32 s3, s2  }
0x8d: {  	s2 =	sadd.s32 s2, s17  }
0x8e: {  	[smem:$0x3FBD] =	sst s2  }
0x8f: {  	_ = 	snop  }
0x90: {  	s2 =	sld [smem:$0x3FC7]  }
0x91: {  	s18 =	sld [smem:$0x3FD0];
	(tm) =	ssettm $0x1  }
0x92: {  	s4 =	sld [smem:$0x3FFB];
	_ =	sdelay $0x3  }
0x93: {  	_ =	strace s4  }
0x94: {  	s4 =	sld [smem:$0x3FFC];
	_ =	sdelay $0x3  }
0x95: {  	_ =	strace s4  }
0x96: {  	s4 =	sld [smem:$0x3FFD];
	_ =	sdelay $0x3  }
0x97: {  	_ =	strace s4  }
0x98: {  	_ =	strace $0x8FFFFFFF  }
0x99: {  	s19 =	sld [smem:$0x3FDB];
	_ =	sdelay $0x1  }
0x9a: {  	s5 =	simm.s32 $_scs_section_size  }
0x9b: {  	s6 =	simm.s32 $_size__tile_overlayer_lowered;
	s7 =	simm.s32 $_tile_overlayer_lowered  }
0x9c: {  	s22 =	simm.s32 $0x1BFF;
	s21 =	sshll.u32 s7, $0x1;
	s4 =	sadd.s32 s5, s19  }
0x9d: {  	s8 =	simm.s32 $0x0;
	s20 =	sshll.u32 s6, $0x1;
	s6 =	sadd.s32 s21, s4  }
0x9e: {  	[timem:s8], [sflag:s22] =	dma.local [hbm:s6], s20  }
0x9f: {  	_ =	swait.ge [sflag:s22], s20  }
0xa0: {  	s5 =	ssub.s32 $0x0, s20;
	[sflag:s22] =	ssyncset.done $0x0  }
0xa1: {  	[sflag:s22] =	ssyncadd.s32 s5;
	_ =	sdelay $0x1  }
0xa2: {  	s23 =	simm.s32 $0x1B8B  }
0xa3: {  	_ =	swait.ge [sflag:s23], $0x1  }
0xa4: {  	[sflag:s23] =	ssyncset.done $0x0  }
0xa5: {  	s25 =	simm.s32 $0x1B8E;
	s24 =	sld [smem:$0x3FFE];
	[sflag:s23] =	ssyncadd.s32 $0xFFFFFFFF  }
0xa6: {  	s26 =	simm.s32 $execute0_lowered;
	[smem:$0x3FD2] =	sst s25  }
0xa7: {  	s6 =	sshll.u32 s26, $0x1;
	_ =	strace $0x80000046;
	[dreg:$0x1] =	wrdreg $0xFFFFFFFF  }
0xa8: {  	s28 =	simm.s32 $_size_execute0_lowered;
	s4 =	sadd.s32 s4, s6;
	[dreg:$0x0] =	wrdreg $0x0  }
0xa9: {  	s6 =	sshll.u32 s28, $0x1;
	[dreg:$0x2] =	wrdreg s4  }
0xaa: {  	[dreg:$0x3] =	wrdreg s6  }
0xab: {  	[dreg:$0x4] =	wrdreg $0xC0  }
0xac: {  	_ =	task [dreg:s8], $0x5FFFF  }
0xad: {  	[dreg:$0x1] =	wrdreg $0xFFFFFFFF  }
0xae: {  	[dreg:$0x0] =	wrdreg $0x60  }
0xaf: {  	[dreg:$0x2] =	wrdreg s2  }
0xb0: {  	[dreg:$0x3] =	wrdreg s18  }
0xb1: {  	[dreg:$0x4] =	wrdreg s24  }
0xb2: {  	[dreg:$0x5] =	wrdreg $0x0  }
0xb3: {  	[dreg:$0x6] =	wrdreg $0x9  }
0xb4: {  	_ =	task.clear_ibuf [dreg:s8], $0x7FFFF;
	_ =	strace $0x90000046  }
0xb5: {  	s29 =	simm.s32 $0x9;
	_ =	strace $0x80000048  }
0xb6: {  	_ =	swait.ge [sflag:s29], $0x1  }
0xb7: {  	[sflag:s29] =	ssyncadd.s32 $0xFFFFFFFF  }
0xb8: {  	_ =	strace $0x90000048  }
0xb9: {  	_ =	sfence  }
0xba: {  	s30 =	sld [smem:$0x0];
	_ =	sdelay $0x2  }
0xbb: {  	s31 =	sshll.u32 s1, $0xD;
	s1 =	sshrl.u32 s1, $0x2  }
0xbc: {  	s3 =	sand.u32 $0x4000, s31;
	s1 =	sadd.s32 s1, s30  }
0xbd: {  	s0 =	sor.u32 s3, s0;
	s1 =	sshll.u32 s1, $0x11  }
0xbe: {  	s0 =	sor.u32 s1, s0  }
0xbf: {  	s0 =	sadd.s32 $0x8F2B, s0  }
0xc0: {  	[sflag:s0] =	ssyncadd.remote.s32 $0x1  }
0xc1: {  	_ =	sfence.sel $0xFFFF  }
0xc2: {  	[dreg:$0x0] =	wrdreg $0xFFFFFFFF;
	(pc) =	sbr.abs _section_cstart, $3  }
0xc3: {  	[dreg:$0x1] =	wrdreg $0xFFFFFFFF  }
0xc4: {  	_ =	task.clear_ibuf [dreg:s8], $0x2FFFF;
	_ =	strace $0x9FFFFFFF  }
0xc5: {  	(tm) =	ssettm $0x7FFFFFFF  }
tec
execute0_lowered:
.L_overlay_start_1:
0x0: {  	(tag) =	ssettag $0x1  }
0x1: {  	s1 =	rddreg [dreg:$0x0]  }
0x2: {  	s17 =	rddreg [dreg:$0x1]  }
0x3: {  	s0 =	srdreg.scid;
	s4 =	rddreg [dreg:$0x2]  }
0x4: {  	s9 =	stileid.u32;
	s2 =	rddreg [dreg:$0x3]  }
0x5: {  	s3 =	simm.s32 $0x0;
	s28 =	simm.s32 $0x0;
	s6 =	smul.u32 $0x13C00, s9  }
0x6: {  	s18 =	sand.u32 $0x1, s0;
	[smem:$0x7FF] =	sst s3;
	s13 =	smul.u32 $0x4F000, s9  }
0x7: {  	s20 =	sshll.u32 s9, $0x1;
	s26 =	sshll.u32 s9, $0xC;
	s30 =	sshll.u32 s9, $0x5  }
0x8: {  	s5 =	smul.u32 $0x13C000, s18;
	_ =	strace $0x80000047;
	s7 =	ssub.s32 $0x2, s18  }
0x9: {  	s25 =	ssub.s32 $0x9A4, s20;
	s29 =	sshll.u32 s18, $0xB;
	s31 =	sadd.s32 s30, s17  }
0xa: {  	s14 =	sshrl.u32 s7, $0x1;
	s15 =	sshrl.u32 s13, $0x2;
	s5 =	sadd.s32 s6, s5  }
0xb: {  	[dreg:$0x6] =	wrdreg s25;
	s19 =	ssub.s32 s7, s14;
	s5 =	sshrl.u32 s5, $0x3  }
0xc: {  	s16 =	sadd.s32 s5, s4;
	s4 =	sadd.s32 s15, s2;
	s5 =	sor.u32 s18, s20  }
0xd: {  	s18 =	sshll.u32 s18, $0x4;
	s21 =	sadd.s32 $0x4000, s4;
	s22 =	sadd.s32 $0x8000, s4  }
0xe: {  	s23 =	sadd.s32 $0xC000, s4;
	s24 =	sadd.s32 $0x10000, s4;
	[dreg:$0x8] =	wrdreg s21  }
0xf: {  	s10 =	sshll.u32 s5, $0xB;
	s11 =	sshll.u32 s5, $0x4;
	[dreg:$0x9] =	wrdreg s22  }
0x10: {  	s13 =	sor.u32 $0x20, s5;
	s15 =	sor.u32 $0x40, s5;
	[dreg:$0xa] =	wrdreg s23  }
0x11: {  	s16 =	sadd.s32 $0x1400, s16;
	s18 =	sadd.s32 s18, s31;
	[dreg:$0xb] =	wrdreg s24  }
0x12: {  	s10 =	sadd.s32 s1, s10;
	s11 =	sadd.s32 s17, s11;
	s12 =	sshll.u32 s13, $0xB  }
0x13: {  	s13 =	sshll.u32 s13, $0x4;
	s14 =	sshll.u32 s15, $0xB;
	s21 =	ssub.s32 $0x9C4, s20  }
0x14: {  	s15 =	sshll.u32 s15, $0x4;
	s20 =	ssub.s32 $0x984, s20;
	s23 =	sadd.s32 $0xA00, s18  }
0x15: {  	s12 =	sadd.s32 s1, s12;
	s13 =	sadd.s32 s17, s13;
	s14 =	sadd.s32 s1, s14  }
0x16: {  	[dreg:$0x5] =	wrdreg s21;
	s15 =	sadd.s32 s17, s15;
	s1 =	sadd.s32 s26, s1  }
0x17: {  	[dreg:$0x7] =	wrdreg s20;
	s17 =	smax.u32 s19, $0x1;
	s1 =	sadd.s32 s29, s1  }
0x18: {  	v0 =	vimm.f32 $0.0e+00;
	s20 =	simm.s32 $0x13E00;
	s21 =	simm.s32 $0x4;
	s1 =	sadd.s32 $0x50000, s1  }
.LBB2_1:
0x19: {  	s0 =	simm.s32 $0x0  }
0x1a: {  	s18 =	sand.u32 $0xFE00, s0  }
0x1b: {  	s19 =	sand.u32 $0x70, s0;
	s22 =	sshrl.u32 s18, $0x2  }
0x1c: {  	s18 =	simm.s32 $0x40;
	s22 =	sor.u32 s19, s22;
	s19 =	simm.s32 $0x0  }
.LBB2_2:
0x1d: {  	p0 =	sne.s32 s18, $0xFFC0  }
0x1e: {  	[tilespmem:s22+$0x13E00] =	vst v0;
	s19 =	sadd.s32 $0x10, s19;
	s22 =	smov.u32 s18;
	s18 =	sadd.s32 $0x40, s18  }
.Ltmp0:
0x1f: {  	(pc) =	sbr.rel @p0 .LBB2_2-.Ltmp0, $4  }
0x20: {  	_ = 	snop  }
0x21: {  	s22 =	sand.u32 $0xFE00, s22  }
0x22: {  	s24 =	sand.u32 $0x70, s19;
	s22 =	sshrl.u32 s22, $0x2  }
0x23: {  	s22 =	sor.u32 s24, s22  }
0x24: {  	[tilespmem:s22+$0x13E00] =	vst v0  }
0x25: {  	[spmem:s4] =	stream.linear.scatter [tilespmem:s20], [sflag:$0x4], $0x4000, $0x38;
	[tilespmem:$0x1FE00] =	vst v63  }
0x26: {  	_ =	swait.ge [sflag:s21], $0x4000  }
0x27: {  	[sflag:s21] =	ssyncset.done $0x0  }
0x28: {  	s0 =	rddreg [dreg:$0x8];
	[sflag:s21] =	ssyncadd.s32 $0xFFFFC000  }
0x29: {  	[spmem:s0] =	stream.linear.scatter [tilespmem:s20], [sflag:$0x4], $0x4000, $0x38;
	[tilespmem:$0x1FE00] =	vst v63  }
0x2a: {  	_ =	swait.ge [sflag:s21], $0x4000  }
0x2b: {  	[sflag:s21] =	ssyncset.done $0x0  }
0x2c: {  	s9 =	rddreg [dreg:$0x9];
	[sflag:s21] =	ssyncadd.s32 $0xFFFFC000  }
0x2d: {  	[spmem:s9] =	stream.linear.scatter [tilespmem:s20], [sflag:$0x4], $0x4000, $0x38;
	[tilespmem:$0x1FE00] =	vst v63  }
0x2e: {  	_ =	swait.ge [sflag:s21], $0x4000  }
0x2f: {  	[sflag:s21] =	ssyncset.done $0x0  }
0x30: {  	s18 =	rddreg [dreg:$0xa];
	[sflag:s21] =	ssyncadd.s32 $0xFFFFC000  }
0x31: {  	[spmem:s18] =	stream.linear.scatter [tilespmem:s20], [sflag:$0x4], $0x4000, $0x38;
	[tilespmem:$0x1FE00] =	vst v63  }
0x32: {  	_ =	swait.ge [sflag:s21], $0x4000  }
0x33: {  	[sflag:s21] =	ssyncset.done $0x0  }
0x34: {  	s19 =	rddreg [dreg:$0xb];
	[sflag:s21] =	ssyncadd.s32 $0xFFFFC000  }
0x35: {  	[spmem:s19] =	stream.linear.scatter [tilespmem:s20], [sflag:$0x4], $0x3C00, $0x38;
	[tilespmem:$0x1FE00] =	vst v63  }
0x36: {  	_ =	swait.ge [sflag:s21], $0x3C00  }
0x37: {  	[sflag:s21] =	ssyncset.done $0x0  }
0x38: {  	s18 =	simm.s32 $0x0;
	[sflag:s21] =	ssyncadd.s32 $0xFFFFC400  }
0x39: {  	[tilespmem:s20], [sflag:$0x1] =	stream.linear.gather [hbm4b:s10+s18], $0x4000, $0x38;
	[tilespmem:$0x1FE00] =	vst v63  }
0x3a: {  	s22 =	simm.s32 $0x13C00  }
0x3b: {  	[tilespmem:s22], [sflag:$0x1] =	stream.linear.gather [hbm4b:s11+s18], $0x80, $0x38;
	[tilespmem:$0x1FE00] =	vst v63  }
0x3c: {  	s24 =	simm.s32 $0x17E00  }
0x3d: {  	[tilespmem:s24], [sflag:$0x2] =	stream.linear.gather [hbm4b:s12+s18], $0x4000, $0x38;
	[tilespmem:$0x1FE00] =	vst v63  }
0x3e: {  	s25 =	simm.s32 $0x13C80  }
0x3f: {  	[tilespmem:s25], [sflag:$0x2] =	stream.linear.gather [hbm4b:s13+s18], $0x80, $0x38;
	[tilespmem:$0x1FE00] =	vst v63  }
0x40: {  	s26 =	simm.s32 $0x1BE00  }
0x41: {  	[tilespmem:s26], [sflag:$0x3] =	stream.linear.gather [hbm4b:s14+s18], $0x4000, $0x38;
	[tilespmem:$0x1FE00] =	vst v63  }
0x42: {  	s3 =	simm.s32 $0x13D00  }
0x43: {  	[tilespmem:s3], [sflag:$0x3] =	stream.linear.gather [hbm4b:s15+s18], $0x80, $0x38;
	[tilespmem:$0x1FE00] =	vst v63  }
0x44: {  	[bflag:$0x0] =	sbarrier.arrive $0xFFFF  }
0x45: {  	s6 =	rddreg [dreg:$0x5]  }
0x46: {  	p0 =	sle.u32 s6, $0x0  }
0x47: {  	s18 =	simm.s32 @!p0 $0x1  }
0x48: {  	_ =	swait.ge @!p0 [sflag:s18], $0x4000  }
0x49: {  	[sflag:s18] =	ssyncset.done @!p0 $0x0  }
0x4a: {  	s19 =	sadd.s32 $0x0, s5;
	[sflag:s18] =	ssyncadd.s32 @!p0 $0xFFFFC000  }
0x4b: {  	s29 =	sadd.s32 $0x60, s19;
	_ =	swait.ge @!p0 [sflag:s18], $0x80  }
0x4c: {  	s22 =	simm.s32 @!p0 $0x13E00;
	s24 =	simm.s32 @!p0 $0x4;
	[sflag:s18] =	ssyncset.done @!p0 $0x0  }
0x4d: {  	s25 =	simm.s32 @!p0 $0x80;
	s26 =	simm.s32 @!p0 $0x13C00;
	[sflag:s18] =	ssyncadd.s32 @!p0 $0xFFFFFF80  }
0x4e: {  	[spmem:s2] =	stream.indirect.scatter.add.f32 @!p0 [tilespmem:s22], [sflag:$0x4], $0x80, s26, s25, $0xb8;
	[tilespmem:$0x1FE00] =	vst v63  }
0x4f: {  	p1 =	sgt.u32 s29, $0x9C3;
	_ =	swait.ge @!p0 [sflag:s24], $0x4000  }
0x50: {  	s18 =	simm.s32 @!p1 $0x13E00;
	s25 =	simm.s32 @!p1 $0x0;
	[sflag:s24] =	ssyncset.done @!p0 $0x0  }
0x51: {  	s7 =	rddreg [dreg:$0x6];
	[sflag:s24] =	ssyncadd.s32 @!p0 $0xFFFFC000;
	s24 =	sadd.s32 @!p1 $0xFFFE0000, s1  }
0x52: {  	[tilespmem:s18], [sflag:$0x1] =	stream.linear.gather @!p1 [hbm4b:s24+s25], $0x4000, $0x38;
	[tilespmem:$0x1FE00] =	vst v63  }
0x53: {  	p0 =	sle.u32 s7, $0x0;
	s18 =	sadd.s32 @!p1 $0xFFFFFC00, s23;
	s24 =	simm.s32 @!p1 $0x13C00  }
0x54: {  	[tilespmem:s24], [sflag:$0x1] =	stream.linear.gather @!p1 [hbm4b:s18+s25], $0x80, $0x38;
	[tilespmem:$0x1FE00] =	vst v63  }
0x55: {  	s18 =	simm.s32 @!p0 $0x2  }
0x56: {  	_ =	swait.ge @!p0 [sflag:s18], $0x4000  }
0x57: {  	[sflag:s18] =	ssyncset.done @!p0 $0x0  }
0x58: {  	s8 =	sadd.s32 $0x80, s19;
	[sflag:s18] =	ssyncadd.s32 @!p0 $0xFFFFC000  }
0x59: {  	p2 =	sgt.u32 s8, $0x9C3;
	_ =	swait.ge @!p0 [sflag:s18], $0x80  }
0x5a: {  	s26 =	simm.s32 @!p0 $0x80;
	s29 =	simm.s32 @!p0 $0x13C80;
	[sflag:s18] =	ssyncset.done @!p0 $0x0  }
0x5b: {  	s24 =	simm.s32 @!p0 $0x17E00;
	s25 =	simm.s32 @!p0 $0x4;
	[sflag:s18] =	ssyncadd.s32 @!p0 $0xFFFFFF80  }
0x5c: {  	[spmem:s2] =	stream.indirect.scatter.add.f32 @!p0 [tilespmem:s24], [sflag:$0x4], $0x80, s29, s26, $0xb8;
	[tilespmem:$0x1FE00] =	vst v63  }
0x5d: {  	s30 =	simm.s32 $0x60;
	s18 =	sadd.s32 @!p2 $0xFFFF0000, s1;
	_ =	swait.ge @!p0 [sflag:s25], $0x4000  }
0x5e: {  	s24 =	simm.s32 @!p2 $0x0;
	[sflag:s25] =	ssyncset.done @!p0 $0x0;
	s9 =	rddreg [dreg:$0x7]  }
0x5f: {  	s26 =	simm.s32 @!p2 $0x17E00;
	[sflag:s25] =	ssyncadd.s32 @!p0 $0xFFFFC000;
	p1 =	sle.u32 s9, $0x0  }
0x60: {  	[tilespmem:s26], [sflag:$0x2] =	stream.linear.gather @!p2 [hbm4b:s18+s24], $0x4000, $0x38;
	[tilespmem:$0x1FE00] =	vst v63  }
0x61: {  	s25 =	simm.s32 @!p2 $0x13C80;
	s18 =	sadd.s32 @!p2 $0xFFFFFE00, s23;
	s26 =	simm.s32 @!p1 $0x3  }
0x62: {  	[tilespmem:s25], [sflag:$0x2] =	stream.linear.gather @!p2 [hbm4b:s18+s24], $0x80, $0x38;
	[tilespmem:$0x1FE00] =	vst v63  }
0x63: {  	s31 =	smov.u32 s1;
	s22 =	simm.s32 $0xC0;
	_ =	swait.ge @!p1 [sflag:s26], $0x4000  }
0x64: {  	s29 =	sadd.s32 $0x600, s23;
	s24 =	sadd.s32 $0xA0, s19;
	[sflag:s26] =	ssyncset.done @!p1 $0x0  }
0x65: {  	s18 =	smov.u32 s1;
	s19 =	smov.u32 s23;
	[sflag:s26] =	ssyncadd.s32 @!p1 $0xFFFFC000  }
.LBB2_4:
0x66: {  	_ =	swait.ge @!p1 [sflag:s26], $0x80  }
0x67: {  	s0 =	simm.s32 @!p1 $0x1BE00;
	s3 =	simm.s32 @!p1 $0x4;
	[sflag:s26] =	ssyncset.done @!p1 $0x0  }
0x68: {  	s6 =	simm.s32 @!p1 $0x13D00;
	[sflag:s26] =	ssyncadd.s32 @!p1 $0xFFFFFF80;
	s26 =	simm.s32 @!p1 $0x80  }
0x69: {  	[spmem:s2] =	stream.indirect.scatter.add.f32 @!p1 [tilespmem:s0], [sflag:$0x4], $0x80, s6, s26, $0xb8;
	[tilespmem:$0x1FE00] =	vst v63  }
0x6a: {  	p2 =	sgt.u32 s24, $0x9C3;
	_ =	swait.ge @!p1 [sflag:s3], $0x4000  }
0x6b: {  	s6 =	simm.s32 @!p2 $0x1BE00;
	s9 =	rddreg [dreg:$0x5];
	[sflag:s3] =	ssyncset.done @!p1 $0x0  }
0x6c: {  	[sflag:s3] =	ssyncadd.s32 @!p1 $0xFFFFC000;
	s3 =	simm.s32 @!p2 $0x0;
	p1 =	sge.u32 s30, s9  }
0x6d: {  	[tilespmem:s6], [sflag:$0x3] =	stream.linear.gather @!p2 [hbm4b:s18+s3], $0x4000, $0x38;
	[tilespmem:$0x1FE00] =	vst v63  }
0x6e: {  	s24 =	simm.s32 @!p2 $0x13D00;
	s0 =	simm.s32 @!p1 $0x1  }
0x6f: {  	[tilespmem:s24], [sflag:$0x3] =	stream.linear.gather @!p2 [hbm4b:s19+s3], $0x80, $0x38;
	[tilespmem:$0x1FE00] =	vst v63  }
0x70: {  	_ =	swait.ge @!p1 [sflag:s0], $0x4000  }
0x71: {  	[sflag:s0] =	ssyncset.done @!p1 $0x0  }
0x72: {  	s31 =	sadd.s32 $0x30000, s31;
	s6 =	sadd.s32 s30, s5;
	[sflag:s0] =	ssyncadd.s32 @!p1 $0xFFFFC000  }
0x73: {  	s26 =	simm.s32 @!p1 $0x4;
	s7 =	simm.s32 @!p1 $0x80;
	_ =	swait.ge @!p1 [sflag:s0], $0x80  }
0x74: {  	s8 =	simm.s32 @!p1 $0x13C00;
	s9 =	sadd.s32 $0x80, s6;
	[sflag:s0] =	ssyncset.done @!p1 $0x0  }
0x75: {  	s3 =	simm.s32 @!p1 $0x13E00;
	s24 =	sadd.s32 $0x60, s6;
	[sflag:s0] =	ssyncadd.s32 @!p1 $0xFFFFFF80  }
0x76: {  	[spmem:s2] =	stream.indirect.scatter.add.f32 @!p1 [tilespmem:s3], [sflag:$0x4], $0x80, s8, s7, $0xb8;
	[tilespmem:$0x1FE00] =	vst v63  }
0x77: {  	p2 =	sgt.u32 s24, $0x9C3;
	s24 =	sadd.s32 $0xA0, s6;
	_ =	swait.ge @!p1 [sflag:s26], $0x4000  }
0x78: {  	s6 =	sadd.s32 @!p2 $0xFFFE0000, s31;
	s0 =	simm.s32 @!p2 $0x13E00;
	[sflag:s26] =	ssyncset.done @!p1 $0x0  }
0x79: {  	s7 =	simm.s32 @!p2 $0x0;
	s8 =	rddreg [dreg:$0x6];
	[sflag:s26] =	ssyncadd.s32 @!p1 $0xFFFFC000  }
0x7a: {  	[tilespmem:s0], [sflag:$0x1] =	stream.linear.gather @!p2 [hbm4b:s6+s7], $0x4000, $0x38;
	[tilespmem:$0x1FE00] =	vst v63  }
0x7b: {  	p1 =	sge.u32 s30, s8;
	s0 =	sadd.s32 @!p2 $0xFFFFFC00, s29;
	s6 =	simm.s32 @!p2 $0x13C00  }
0x7c: {  	[tilespmem:s6], [sflag:$0x1] =	stream.linear.gather @!p2 [hbm4b:s0+s7], $0x80, $0x38;
	[tilespmem:$0x1FE00] =	vst v63  }
0x7d: {  	s0 =	simm.s32 @!p1 $0x2  }
0x7e: {  	_ =	swait.ge @!p1 [sflag:s0], $0x4000  }
0x7f: {  	[sflag:s0] =	ssyncset.done @!p1 $0x0  }
0x80: {  	s25 =	smov.u32 s22;
	s22 =	sadd.s32 $0x60, s22;
	[sflag:s0] =	ssyncadd.s32 @!p1 $0xFFFFC000  }
0x81: {  	p0 =	sne.s32 s22, $0xA20;
	s3 =	simm.s32 @!p1 $0x17E00;
	_ =	swait.ge @!p1 [sflag:s0], $0x80  }
0x82: {  	s8 =	simm.s32 @!p1 $0x13C80;
	s6 =	simm.s32 @!p1 $0x4;
	[sflag:s0] =	ssyncset.done @!p1 $0x0  }
0x83: {  	s7 =	simm.s32 @!p1 $0x80;
	p2 =	sgt.u32 s9, $0x9C3;
	[sflag:s0] =	ssyncadd.s32 @!p1 $0xFFFFFF80  }
0x84: {  	[spmem:s2] =	stream.indirect.scatter.add.f32 @!p1 [tilespmem:s3], [sflag:$0x4], $0x80, s8, s7, $0xb8;
	[tilespmem:$0x1FE00] =	vst v63  }
0x85: {  	s0 =	sadd.s32 @!p2 $0xFFFF0000, s31;
	s3 =	simm.s32 @!p2 $0x0;
	_ =	swait.ge @!p1 [sflag:s6], $0x4000  }
0x86: {  	s7 =	simm.s32 @!p2 $0x17E00;
	[sflag:s6] =	ssyncset.done @!p1 $0x0;
	s26 =	rddreg [dreg:$0x7]  }
0x87: {  	[sflag:s6] =	ssyncadd.s32 @!p1 $0xFFFFC000;
	s6 =	simm.s32 @!p2 $0x13C80;
	p1 =	sge.u32 s30, s26  }
0x88: {  	[tilespmem:s7], [sflag:$0x2] =	stream.linear.gather @!p2 [hbm4b:s0+s3], $0x4000, $0x38;
	[tilespmem:$0x1FE00] =	vst v63  }
.Ltmp1:
0x89: {  	s0 =	sadd.s32 @!p2 $0xFFFFFE00, s29;
	s26 =	simm.s32 @!p1 $0x3;
	(pc) =	sbr.rel @p0 .LBB2_4-.Ltmp1, $4  }
0x8a: {  	[tilespmem:s6], [sflag:$0x2] =	stream.linear.gather @!p2 [hbm4b:s0+s3], $0x80, $0x38;
	[tilespmem:$0x1FE00] =	vst v63  }
0x8b: {  	_ =	swait.ge @!p1 [sflag:s26], $0x4000  }
0x8c: {  	s18 =	smov.u32 s31;
	s19 =	smov.u32 s29;
	[sflag:s26] =	ssyncset.done @!p1 $0x0  }
0x8d: {  	s30 =	smov.u32 s25;
	s29 =	sadd.s32 $0x600, s29;
	[sflag:s26] =	ssyncadd.s32 @!p1 $0xFFFFC000  }
0x8e: {  	_ =	swait.ge @!p1 [sflag:s26], $0x80  }
0x8f: {  	s0 =	simm.s32 @!p1 $0x1BE00;
	s3 =	simm.s32 @!p1 $0x4;
	[sflag:s26] =	ssyncset.done @!p1 $0x0  }
0x90: {  	s6 =	simm.s32 @!p1 $0x80;
	s7 =	simm.s32 @!p1 $0x13D00;
	[sflag:s26] =	ssyncadd.s32 @!p1 $0xFFFFFF80  }
0x91: {  	[spmem:s2] =	stream.indirect.scatter.add.f32 @!p1 [tilespmem:s0], [sflag:$0x4], $0x80, s7, s6, $0xb8;
	[tilespmem:$0x1FE00] =	vst v63  }
0x92: {  	p2 =	sgt.u32 s24, $0x9C3;
	_ =	swait.ge @!p1 [sflag:s3], $0x4000  }
0x93: {  	s6 =	simm.s32 @!p2 $0x1BE00;
	s9 =	rddreg [dreg:$0x5];
	[sflag:s3] =	ssyncset.done @!p1 $0x0  }
0x94: {  	[sflag:s3] =	ssyncadd.s32 @!p1 $0xFFFFC000;
	s3 =	simm.s32 @!p2 $0x0;
	p0 =	sge.u32 s30, s9  }
0x95: {  	[tilespmem:s6], [sflag:$0x3] =	stream.linear.gather @!p2 [hbm4b:s18+s3], $0x4000, $0x38;
	[tilespmem:$0x1FE00] =	vst v63  }
0x96: {  	s0 =	simm.s32 @!p0 $0x1;
	s6 =	simm.s32 @!p2 $0x13D00  }
0x97: {  	[tilespmem:s6], [sflag:$0x3] =	stream.linear.gather @!p2 [hbm4b:s19+s3], $0x80, $0x38;
	[tilespmem:$0x1FE00] =	vst v63  }
0x98: {  	_ =	swait.ge @!p0 [sflag:s0], $0x4000  }
0x99: {  	[sflag:s0] =	ssyncset.done @!p0 $0x0  }
0x9a: {  	[sflag:s0] =	ssyncadd.s32 @!p0 $0xFFFFC000  }
0x9b: {  	s7 =	simm.s32 @!p0 $0x4;
	s8 =	simm.s32 @!p0 $0x80;
	_ =	swait.ge @!p0 [sflag:s0], $0x80  }
0x9c: {  	s9 =	simm.s32 @!p0 $0x13C00;
	s3 =	sadd.s32 s30, s5;
	[sflag:s0] =	ssyncset.done @!p0 $0x0  }
0x9d: {  	s6 =	simm.s32 @!p0 $0x13E00;
	s22 =	sadd.s32 $0x60, s3;
	[sflag:s0] =	ssyncadd.s32 @!p0 $0xFFFFFF80  }
0x9e: {  	[spmem:s2] =	stream.indirect.scatter.add.f32 @!p0 [tilespmem:s6], [sflag:$0x4], $0x80, s9, s8, $0xb8;
	[tilespmem:$0x1FE00] =	vst v63  }
0x9f: {  	p1 =	sgt.u32 s22, $0x9C3;
	s0 =	sadd.s32 $0x30000, s31;
	_ =	swait.ge @!p0 [sflag:s7], $0x4000  }
0xa0: {  	s6 =	simm.s32 @!p1 $0x13E00;
	s9 =	simm.s32 @!p1 $0x0;
	[sflag:s7] =	ssyncset.done @!p0 $0x0  }
0xa1: {  	s24 =	rddreg [dreg:$0x6];
	[sflag:s7] =	ssyncadd.s32 @!p0 $0xFFFFC000;
	s7 =	sadd.s32 @!p1 $0xFFFE0000, s0  }
0xa2: {  	[tilespmem:s6], [sflag:$0x1] =	stream.linear.gather @!p1 [hbm4b:s7+s9], $0x4000, $0x38;
	[tilespmem:$0x1FE00] =	vst v63  }
0xa3: {  	p0 =	sge.u32 s30, s24;
	s6 =	sadd.s32 @!p1 $0xFFFFFC00, s29;
	s7 =	simm.s32 @!p1 $0x13C00  }
0xa4: {  	[tilespmem:s7], [sflag:$0x1] =	stream.linear.gather @!p1 [hbm4b:s6+s9], $0x80, $0x38;
	[tilespmem:$0x1FE00] =	vst v63  }
0xa5: {  	s6 =	simm.s32 @!p0 $0x2  }
0xa6: {  	_ =	swait.ge @!p0 [sflag:s6], $0x4000  }
0xa7: {  	[sflag:s6] =	ssyncset.done @!p0 $0x0  }
0xa8: {  	[sflag:s6] =	ssyncadd.s32 @!p0 $0xFFFFC000  }
0xa9: {  	s25 =	sadd.s32 $0x80, s3;
	_ =	swait.ge @!p0 [sflag:s6], $0x80  }
0xaa: {  	s8 =	simm.s32 @!p0 $0x17E00;
	s18 =	simm.s32 @!p0 $0x80;
	[sflag:s6] =	ssyncset.done @!p0 $0x0  }
0xab: {  	s19 =	simm.s32 @!p0 $0x13C80;
	s9 =	simm.s32 @!p0 $0x4;
	[sflag:s6] =	ssyncadd.s32 @!p0 $0xFFFFFF80  }
0xac: {  	[spmem:s2] =	stream.indirect.scatter.add.f32 @!p0 [tilespmem:s8], [sflag:$0x4], $0x80, s19, s18, $0xb8;
	[tilespmem:$0x1FE00] =	vst v63  }
0xad: {  	p1 =	sgt.u32 s25, $0x9C3;
	_ =	swait.ge @!p0 [sflag:s9], $0x4000  }
0xae: {  	s6 =	sadd.s32 @!p1 $0xFFFF0000, s0;
	s8 =	simm.s32 @!p1 $0x0;
	[sflag:s9] =	ssyncset.done @!p0 $0x0  }
0xaf: {  	s18 =	simm.s32 @!p1 $0x17E00;
	s26 =	rddreg [dreg:$0x7];
	[sflag:s9] =	ssyncadd.s32 @!p0 $0xFFFFC000  }
0xb0: {  	[tilespmem:s18], [sflag:$0x2] =	stream.linear.gather @!p1 [hbm4b:s6+s8], $0x4000, $0x38;
	[tilespmem:$0x1FE00] =	vst v63  }
0xb1: {  	s9 =	simm.s32 @!p1 $0x13C80;
	p0 =	sge.u32 s30, s26;
	s6 =	sadd.s32 @!p1 $0xFFFFFE00, s29  }
0xb2: {  	[tilespmem:s9], [sflag:$0x2] =	stream.linear.gather @!p1 [hbm4b:s6+s8], $0x80, $0x38;
	[tilespmem:$0x1FE00] =	vst v63  }
0xb3: {  	s6 =	simm.s32 @!p0 $0x3  }
0xb4: {  	_ =	swait.ge @!p0 [sflag:s6], $0x4000  }
0xb5: {  	[sflag:s6] =	ssyncset.done @!p0 $0x0  }
0xb6: {  	[sflag:s6] =	ssyncadd.s32 @!p0 $0xFFFFC000  }
0xb7: {  	_ =	swait.ge @!p0 [sflag:s6], $0x80  }
0xb8: {  	s7 =	simm.s32 @!p0 $0x1BE00;
	s8 =	simm.s32 @!p0 $0x4;
	[sflag:s6] =	ssyncset.done @!p0 $0x0  }
0xb9: {  	s9 =	simm.s32 @!p0 $0x13D00;
	[sflag:s6] =	ssyncadd.s32 @!p0 $0xFFFFFF80;
	s6 =	simm.s32 @!p0 $0x80  }
0xba: {  	[spmem:s2] =	stream.indirect.scatter.add.f32 @!p0 [tilespmem:s7], [sflag:$0x4], $0x80, s9, s6, $0xb8;
	[tilespmem:$0x1FE00] =	vst v63  }
0xbb: {  	s3 =	sadd.s32 $0xA0, s3;
	_ =	swait.ge @!p0 [sflag:s8], $0x4000  }
0xbc: {  	p1 =	sgt.u32 s3, $0x9C3;
	[sflag:s8] =	ssyncset.done @!p0 $0x0  }
0xbd: {  	s3 =	simm.s32 @!p1 $0x0;
	s6 =	simm.s32 @!p1 $0x1BE00;
	[sflag:s8] =	ssyncadd.s32 @!p0 $0xFFFFC000  }
0xbe: {  	[tilespmem:s6], [sflag:$0x3] =	stream.linear.gather @!p1 [hbm4b:s0+s3], $0x4000, $0x38;
	[tilespmem:$0x1FE00] =	vst v63  }
0xbf: {  	s28 =	sadd.s32 $0x1, s28;
	s30 =	stileid.u32;
	s0 =	simm.s32 @!p1 $0x13D00  }
0xc0: {  	[tilespmem:s0], [sflag:$0x3] =	stream.linear.gather @!p1 [hbm4b:s29+s3], $0x80, $0x38;
	[tilespmem:$0x1FE00] =	vst v63  }
0xc1: {  	s31 =	sshrl.u32 s4, $0x3;
	p0 =	sne.s32 s28, s17;
	s0 =	sshll.u32 s30, $0x6  }
.Ltmp2:
0xc2: {  	[bflag:$0x0] =	sbarrier.arrive $0xFFFF;
	s0 =	sor.u32 $0x1C04, s0;
	(pc) =	sbr.rel @p0 .LBB2_1-.Ltmp2, $4  }
0xc3: {  	[hbm:s16], [sflag:s0] =	dma.local [spmem:s31], $0x2780  }
0xc4: {  	_ =	swait.ge [sflag:s21], $0x2780  }
0xc5: {  	[sflag:s21] =	ssyncset.done $0x0  }
0xc6: {  	[sflag:s21] =	ssyncadd.s32 $0xFFFFD880  }
0xc7: {  	_ =	sfence.sel $0x180000  }
0xc8: {  	[bflag:$0x0] =	sbarrier.arrive $0xFFFF  }
0xc9: {  	_ =	strace $0x90000047  }
0xca: {  	s0 =	stileid.u32;
	[bflag:$0x2] =	sbarrier.arrive $0xFFFF  }
0xcb: {  	p0 =	sne.s32 s0, $0x0;
	s0 =	rddreg [dreg:$0x4]  }
0xcc: {  	s0 =	sadd.s32 @!p0 $0x100000, s0  }
0xcd: {  	[sflag:s0] =	ssyncadd.tile.s32 @!p0 $0x1;
	_ =	shalt  }
.Lfunc_end2:
_tile_overlayer_lowered:
.L_overlay_start_2:
0xce: {  	(tag) =	ssettag $0x2  }
0xcf: {  	s0 =	rddreg [dreg:$0x0];
	s2 =	stileid.u32  }
0xd0: {  	s1 =	rddreg [dreg:$0x1];
	p0 =	sne.s32 s2, $0x0  }
0xd1: {  	s3 =	rddreg [dreg:$0x2];
	[bflag:$0x3] =	sbarrier.arrive $0xFFFF;
	s2 =	simm.s32 @!p0 $0x1C04  }
0xd2: {  	[timem:s3], [sflag:s2] =	dma.local @!p0 [hbm:s0], s1  }
0xd3: {  	s0 =	simm.s32 @!p0 $0x4  }
0xd4: {  	_ =	swait.ge @!p0 [sflag:s0], s1  }
0xd5: {  	s1 =	ssub.s32 @!p0 $0x0, s1;
	[sflag:s0] =	ssyncset.done @!p0 $0x0  }
0xd6: {  	[sflag:s0] =	ssyncadd.s32 @!p0 s1  }
0xd7: {  	[bflag:$0x3] =	sbarrier.arrive $0xFFFF  }
0xd8: {  	_ =	shalt  }

</sc_bundles>
